<compile_context>
chip_gen: v7x
topology: tpu7x:2x2x1
jax: 0.10.2.dev20260603
libtpu: 0.0.44.dev20260713+nightly
codegen_flags: <defaults>
</compile_context>

<pallas_src>
import jax
import jax.numpy as jnp
from jax import lax
from jax.experimental import pallas as pl
from jax.experimental.pallas import tpu as pltpu
from jax.experimental.pallas import tpu_sc as plsc

N_BATCH = 16
C_IN = 256
C_OUT = 256
HW = 4096
P_TOTAL = N_BATCH * HW
TP = 8192
NTP = P_TOTAL // TP
MROWS = 2
SC_CHUNK = 2048

SC_CORES = 2
SC_SUBCORES = 16
N_ANCHOR = 5
LANES = 16


def _sc_mask_kernel(lab_hbm, out_hbm, lab_v, out_v):
    wid = lax.axis_index("s") * SC_CORES + lax.axis_index("c")
    n = wid // (HW // SC_CHUNK)
    h0 = (wid % (HW // SC_CHUNK)) * (SC_CHUNK // 64)
    pltpu.sync_copy(lab_hbm.at[n, :, pl.ds(h0, SC_CHUNK // 64), :], lab_v)

    def body(i, carry):
        base = pl.multiple_of(i * LANES, LANES)
        one = jnp.int32(1)
        zero = jnp.int32(0)
        acc_eq = jnp.zeros((LANES,), jnp.int32)
        acc_ge = jnp.zeros((LANES,), jnp.int32)
        for a_idx in range(N_ANCHOR):
            l = lab_v[a_idx, lax.div(i, 4), pl.ds(lax.rem(i, 4) * LANES, LANES)]
            acc_eq += one - jnp.minimum(jnp.abs(l - one), one)
            acc_ge += one - jnp.minimum(jnp.maximum(-l, zero), one)
        pos_i = jnp.minimum(acc_eq, one)
        neg_i = jnp.minimum(acc_ge, one) * (one - pos_i)
        out_v[0, pl.ds(base, LANES)] = pos_i.astype(jnp.float32)
        out_v[1, pl.ds(base, LANES)] = neg_i.astype(jnp.float32)
        return carry

    lax.fori_loop(0, SC_CHUNK // LANES, body, 0)
    t = wid // (TP // SC_CHUNK)
    col = (wid % (TP // SC_CHUNK)) * SC_CHUNK
    pltpu.sync_copy(out_v, out_hbm.at[t, :, pl.ds(col, SC_CHUNK)])


def _build_masks(lab):
    mesh = plsc.VectorSubcoreMesh(core_axis_name="c", subcore_axis_name="s")
    return pl.kernel(
        _sc_mask_kernel,
        mesh=mesh,
        out_type=jax.ShapeDtypeStruct((NTP, MROWS, TP), jnp.float32),
        scratch_types=[
            pltpu.VMEM((N_ANCHOR, SC_CHUNK // 64, 64), jnp.int32),
            pltpu.VMEM((MROWS, SC_CHUNK), jnp.float32),
        ],
    )(lab)


def _fold(v):
    w = v.shape[1]
    while w > 256:
        w //= 2
        v = v[:, :w] + v[:, w:]
    return v


def _dot_t(a, b):
    return lax.dot_general(a, b, (((1,), (1,)), ((), ())),
                           preferred_element_type=jnp.float32)


def _stats_body(x_ref, w_ref, gb_ref, ab_ref, ybf_ref, asum, asq):
    t = pl.program_id(0)

    @pl.when(t == 0)
    def _init():
        asum[...] = jnp.zeros_like(asum)
        asq[...] = jnp.zeros_like(asq)

    xbf = x_ref[...].astype(jnp.bfloat16)
    wbf = w_ref[...].astype(jnp.bfloat16)
    ybf = _dot_t(xbf, wbf).astype(jnp.bfloat16)
    ybf_ref[...] = ybf
    o1 = jnp.ones((1, TP), jnp.bfloat16)
    asum[...] += jnp.dot(o1, ybf, preferred_element_type=jnp.float32)
    asq[...] += jnp.dot(o1, ybf * ybf, preferred_element_type=jnp.float32)

    @pl.when(t == NTP - 1)
    def _fin():
        inv_p = jnp.float32(1.0 / P_TOTAL)
        mean = asum[...] * inv_p
        var = asq[...] * inv_p - mean * mean
        a = gb_ref[0:1, :] * lax.rsqrt(var + jnp.float32(1e-5))
        ab_ref[...] = jnp.concatenate([a, gb_ref[1:2, :] - a * mean], axis=0)


def _tc_stats(xt, w, gb):
    return pl.pallas_call(
        _stats_body,
        grid=(NTP,),
        in_specs=[
            pl.BlockSpec((TP, C_IN), lambda t: (t, 0)),
            pl.BlockSpec((C_OUT, C_IN), lambda t: (0, 0)),
            pl.BlockSpec((2, C_OUT), lambda t: (0, 0)),
        ],
        out_specs=[
            pl.BlockSpec((2, C_OUT), lambda t: (0, 0)),
            pl.BlockSpec((TP, C_OUT), lambda t: (t, 0)),
        ],
        out_shape=[
            jax.ShapeDtypeStruct((2, C_OUT), jnp.float32),
            jax.ShapeDtypeStruct((P_TOTAL, C_OUT), jnp.bfloat16),
        ],
        scratch_shapes=[
            pltpu.VMEM((1, C_OUT), jnp.float32),
            pltpu.VMEM((1, C_OUT), jnp.float32),
        ],
    )(xt, w, gb)


def _sums_body(y_ref, m_ref, ab_ref, out_ref, macc, cnt):
    t = pl.program_id(0)

    @pl.when(t == 0)
    def _init():
        macc[...] = jnp.zeros_like(macc)
        cnt[...] = jnp.zeros_like(cnt)

    yv = y_ref[...]
    ab = ab_ref[0:1, :].astype(jnp.bfloat16)
    bb = ab_ref[1:2, :].astype(jnp.bfloat16)
    z = jnp.maximum(ab * yv + bb, jnp.bfloat16(0.0))
    zz = jnp.concatenate([z, z * z], axis=1)
    m2 = m_ref[0]
    macc[...] += jnp.dot(m2.astype(jnp.bfloat16), zz,
                         preferred_element_type=jnp.float32)
    cnt[...] += _fold(m2)

    @pl.when(t == NTP - 1)
    def _fin():
        n_pos = jnp.sum(cnt[0:1, :])
        n_neg = jnp.sum(cnt[1:2, :])
        mu_p = macc[0:1, :C_OUT] / n_pos
        mu_n = macc[1:2, :C_OUT] / n_neg
        ss_p = macc[0:1, C_OUT:]
        ss_n = macc[1:2, C_OUT:]
        var_p = (ss_p - n_pos * mu_p * mu_p) / (n_pos - jnp.float32(1.0))
        var_n = (ss_n - n_neg * mu_n * mu_n) / (n_neg - jnp.float32(1.0))
        out_ref[...] = jnp.concatenate(
            [mu_p, mu_n, jnp.sqrt(var_p), jnp.sqrt(var_n)], axis=0)


def _tc_sums(ybf, masks, ab):
    return pl.pallas_call(
        _sums_body,
        grid=(NTP,),
        in_specs=[
            pl.BlockSpec((TP, C_OUT), lambda t: (t, 0)),
            pl.BlockSpec((1, MROWS, TP), lambda t: (t, 0, 0)),
            pl.BlockSpec((2, C_OUT), lambda t: (0, 0)),
        ],
        out_specs=pl.BlockSpec((4, C_OUT), lambda t: (0, 0)),
        out_shape=jax.ShapeDtypeStruct((4, C_OUT), jnp.float32),
        scratch_shapes=[
            pltpu.VMEM((MROWS, 2 * C_OUT), jnp.float32),
            pltpu.VMEM((MROWS, C_OUT), jnp.float32),
        ],
    )(ybf, masks, ab)


def kernel(hidden_map, label_cls, W, gamma, beta):
    s = hidden_map.shape
    xt = jnp.transpose(hidden_map, (0, 2, 3, 1)).reshape(P_TOTAL, C_IN)
    lab = label_cls.astype(jnp.int32)
    masks = _build_masks(lab)
    gb = jnp.stack([gamma, beta])
    ab, ybf = _tc_stats(xt, W, gb)
    out = _tc_sums(ybf, masks, ab)
    latents = out.reshape(1, 4 * C_OUT, 1, 1)
    return (latents, 0.0, s)

# --- scband reference (transcript-rebuilt; emitter-appended) ---
"""Pipeline reference for scband-encoder-cls-9698036155072 (READ-ONLY COPY).

The authoritative reference and input builder live on the scoring server;
editing this copy changes nothing except your own understanding.
"""

import jax, jax.numpy as jnp
import numpy as np

IN_CHANNELS = 256
N_LATENT = 256

def setup_inputs(seed: int = 0) -> dict:
    key = jax.random.key(seed)
    k1, k2, k3 = jax.random.split(key, 3)
    hidden_map = jax.random.normal(k1, (16, IN_CHANNELS, 64, 64), dtype=jnp.float32)
    # labels in {0,1}: 1 marks positive anchors, 0 marks negative (>=0) anchors
    label_cls = jax.random.randint(k2, (16, 5, 64, 64), 0, 2, dtype=jnp.int64)
    # '1-layer' Adjust1: Conv2d(in_channels, n_latent, k=1, bias=False) + BatchNorm2d + ReLU
    W = jax.random.normal(k3, (N_LATENT, IN_CHANNELS), dtype=jnp.float32) * 0.05
    gamma = jnp.ones((N_LATENT,), dtype=jnp.float32)
    beta = jnp.zeros((N_LATENT,), dtype=jnp.float32)
    return {"hidden_map": hidden_map, "label_cls": label_cls, "W": W, "gamma": gamma, "beta": beta}


def _adjust1(x, W, gamma, beta):
    # 1x1 conv (no bias) == channel matmul
    y = jnp.einsum('oc,nchw->nohw', W, x)
    # BatchNorm2d in training mode: batch statistics over (N, H, W) per channel
    mean = jnp.mean(y, axis=(0, 2, 3), keepdims=True)
    var = jnp.var(y, axis=(0, 2, 3), keepdims=True)
    y = (y - mean) / jnp.sqrt(var + 1e-5)
    y = y * gamma.reshape(1, -1, 1, 1) + beta.reshape(1, -1, 1, 1)
    return jnp.maximum(y, 0.0)


def _get_pos_neg(label_cls):
    pos_map = jnp.sum(label_cls == 1, axis=1) >= 1
    neg_map = jnp.sum(label_cls >= 0, axis=1) >= 1
    neg_map = neg_map & (~pos_map)
    pos = pos_map.reshape(-1)
    neg = neg_map.reshape(-1)
    return pos, neg


def _masked_mean_std(codes, mask):
    m = mask.astype(codes.dtype)
    n = jnp.sum(m)
    mean = jnp.sum(codes * m[None, :], axis=1) / n
    dev = (codes - mean[:, None]) * m[None, :]
    var = jnp.sum(dev * dev, axis=1) / (n - 1.0)
    return mean, jnp.sqrt(var)


def reference(hidden_map, label_cls, W, gamma, beta):
    mus = _adjust1(hidden_map, W, gamma, beta)
    pos, neg = _get_pos_neg(label_cls)
    s = mus.shape
    # permute(1,0,2,3).view(C, -1): select columns by pos/neg mask, segment reduce (mean/std)
    codes = jnp.transpose(mus, (1, 0, 2, 3)).reshape(s[1], -1)
    mu_pos_v, std_pos_v = _masked_mean_std(codes, pos)
    mu_neg_v, std_neg_v = _masked_mean_std(codes, neg)
    mu_pos = mu_pos_v.reshape(1, -1, 1, 1)
    mu_neg = mu_neg_v.reshape(1, -1, 1, 1)
    mu = jnp.concatenate((mu_pos, mu_neg), axis=1)
    # torch.std is unbiased (ddof=1)
    std_pos = std_pos_v.reshape(1, -1, 1, 1)
    std_neg = std_neg_v.reshape(1, -1, 1, 1)
    sigma = jnp.concatenate((std_pos, std_neg), axis=1)
    mu = jnp.concatenate((mu, sigma), axis=1)
    latents = mu.reshape(mu.shape[0], mu.shape[1], mu.shape[2], 1)
    kl = 0.0
    return (latents, kl, s)

if __name__ == "__main__":
    import jax
    _d = setup_inputs()
    print(jax.jit(kernel)(*tuple(_d.values())))

</pallas_src>

<mosaic_0001>
#map = affine_map<(d0, d1) -> (0, 0, 0, 0)>
#map1 = affine_map<(d0, d1) -> (0, 0, 0)>
module attributes {stable_mosaic.version = 14 : i64} {
  func.func @_sc_mask_kernel(%arg0: i32, %arg1: i32, %arg2: memref<16x5x64x64xi32, #tpu.memory_space<hbm>>, %arg3: memref<8x2x8192xf32, #tpu.memory_space<hbm>>, %arg4: memref<5x32x64xi32, #tpu.memory_space<vmem>>, %arg5: memref<2x2048xf32, #tpu.memory_space<vmem>>) attributes {dimension_semantics = [#tpu.dimension_semantics<core_parallel>, #tpu.dimension_semantics<subcore_parallel>], iteration_bounds = array<i64: 2, 16>, scalar_prefetch = 0 : i64, scratch_operands = 2 : i64, tpu.core_type = #tpu.core_type<sc_vector_subcore>, window_params = [{transform_indices = #map}, {transform_indices = #map1}]} {
    %mul3A = arith.constant 2 : i32
    %mul3A_0 = arith.muli %arg1, %mul3A : i32
    %add3A = arith.addi %mul3A_0, %arg0 : i32
    %jit3A = arith.constant 2 : i32
    %div3A = arith.divsi %add3A, %jit3A : i32
    %sign3A = arith.constant 0 : i32
    %sign3A_1 = arith.cmpi sgt, %add3A, %sign3A : i32
    %sign3A_2 = arith.extui %sign3A_1 : i1 to i32
    %sign3A_3 = arith.constant 0 : i32
    %sign3A_4 = arith.cmpi slt, %add3A, %sign3A_3 : i32
    %sign3A_5 = arith.extui %sign3A_4 : i1 to i32
    %sign3A_6 = arith.subi %sign3A_2, %sign3A_5 : i32
    %sign3A_7 = arith.constant 0 : i32
    %sign3A_8 = arith.cmpi sgt, %jit3A, %sign3A_7 : i32
    %sign3A_9 = arith.extui %sign3A_8 : i1 to i32
    %sign3A_10 = arith.constant 0 : i32
    %sign3A_11 = arith.cmpi slt, %jit3A, %sign3A_10 : i32
    %sign3A_12 = arith.extui %sign3A_11 : i1 to i32
    %sign3A_13 = arith.subi %sign3A_9, %sign3A_12 : i32
    %ne3A = arith.cmpi ne, %sign3A_6, %sign3A_13 : i32
    %rem3A = arith.remsi %add3A, %jit3A : i32
    %ne3A_14 = arith.constant 0 : i32
    %ne3A_15 = arith.cmpi ne, %rem3A, %ne3A_14 : i32
    %and3A = arith.andi %ne3A, %ne3A_15 : i1
    %sub3A = arith.constant 1 : i32
    %sub3A_16 = arith.subi %div3A, %sub3A : i32
    %select_n3A = arith.select %and3A, %sub3A_16, %div3A : i32
    %jit3A_17 = arith.constant 2 : i32
    %eq3A = arith.constant 0 : i32
    %eq3A_18 = arith.cmpi eq, %jit3A_17, %eq3A : i32
    %jit3A_19 = arith.constant 1 : i32
    %select_n3A_20 = arith.select %eq3A_18, %jit3A_19, %jit3A_17 : i32
    %rem3A_21 = arith.remsi %add3A, %select_n3A_20 : i32
    %ne3A_22 = arith.constant 0 : i32
    %ne3A_23 = arith.cmpi ne, %rem3A_21, %ne3A_22 : i32
    %lt3A = arith.constant 0 : i32
    %lt3A_24 = arith.cmpi slt, %rem3A_21, %lt3A : i32
    %lt3A_25 = arith.constant 0 : i32
    %lt3A_26 = arith.cmpi slt, %select_n3A_20, %lt3A_25 : i32
    %ne3A_27 = arith.xori %lt3A_24, %lt3A_26 : i1
    %and3A_28 = arith.andi %ne3A_27, %ne3A_23 : i1
    %add3A_29 = arith.addi %rem3A_21, %select_n3A_20 : i32
    %select_n3A_30 = arith.select %and3A_28, %add3A_29, %rem3A_21 : i32
    %mul3A_31 = arith.constant 32 : i32
    %mul3A_32 = arith.muli %select_n3A_30, %mul3A_31 : i32
    "tpu.region"() ({
      %run_scoped3A = tpu.sem_alloc : memref<!tpu.dma_semaphore, #tpu.memory_space<semaphore_mem>>
      %dma_start3A = arith.constant 0 : i32
      %dma_start3A_80 = arith.constant 0 : i32
      %dma_start3A_81 = tpu.memref_slice %arg2[%select_n3A, %dma_start3A, %mul3A_32, %dma_start3A_80] : memref<16x5x64x64xi32, #tpu.memory_space<hbm>> -> memref<1x5x32x64xi32, #tpu.memory_space<hbm>>
      %dma_start3A_82 = tpu.memref_squeeze %dma_start3A_81 : memref<1x5x32x64xi32, #tpu.memory_space<hbm>> -> memref<5x32x64xi32, #tpu.memory_space<hbm>>
      %dma_start3A_83 = arith.constant 0 : i32
      %dma_start3A_84 = arith.constant 0 : i32
      %dma_start3A_85 = tpu.memref_slice %arg2[%select_n3A, %dma_start3A_83, %mul3A_32, %dma_start3A_84] : memref<16x5x64x64xi32, #tpu.memory_space<hbm>> -> memref<1x5x32x64xi32, #tpu.memory_space<hbm>>
      %dma_start3A_86 = tpu.memref_squeeze %dma_start3A_85 : memref<1x5x32x64xi32, #tpu.memory_space<hbm>> -> memref<5x32x64xi32, #tpu.memory_space<hbm>>
      tpu.enqueue_dma source(%dma_start3A_86 : memref<5x32x64xi32, #tpu.memory_space<hbm>>) target(%arg4 : memref<5x32x64xi32, #tpu.memory_space<vmem>>) target_semaphore(%run_scoped3A : memref<!tpu.dma_semaphore, #tpu.memory_space<semaphore_mem>>)
      %dma_wait3A = arith.constant 0 : i32
      %dma_wait3A_87 = arith.constant 0 : i32
      %dma_wait3A_88 = tpu.memref_slice %arg2[%select_n3A, %dma_wait3A, %mul3A_32, %dma_wait3A_87] : memref<16x5x64x64xi32, #tpu.memory_space<hbm>> -> memref<1x5x32x64xi32, #tpu.memory_space<hbm>>
      %dma_wait3A_89 = tpu.memref_squeeze %dma_wait3A_88 : memref<1x5x32x64xi32, #tpu.memory_space<hbm>> -> memref<5x32x64xi32, #tpu.memory_space<hbm>>
      %dma_wait3A_90 = arith.constant 0 : i32
      %dma_wait3A_91 = arith.constant 0 : i32
      %dma_wait3A_92 = tpu.memref_slice %arg2[%select_n3A, %dma_wait3A_90, %mul3A_32, %dma_wait3A_91] : memref<16x5x64x64xi32, #tpu.memory_space<hbm>> -> memref<1x5x32x64xi32, #tpu.memory_space<hbm>>
      %dma_wait3A_93 = tpu.memref_squeeze %dma_wait3A_92 : memref<1x5x32x64xi32, #tpu.memory_space<hbm>> -> memref<5x32x64xi32, #tpu.memory_space<hbm>>
      tpu.wait_dma2 semaphore(%run_scoped3A : memref<!tpu.dma_semaphore, #tpu.memory_space<semaphore_mem>>) src(%dma_wait3A_93 : memref<5x32x64xi32, #tpu.memory_space<hbm>>) dst(%arg4 : memref<5x32x64xi32, #tpu.memory_space<vmem>>)
      tpu.yield
    }) : () -> ()
    %scan3A = arith.constant 0 : i32
    %scan3A_33 = arith.constant 0 : i32
    %scan3A_34 = arith.constant 128 : i32
    %scan3A_35 = arith.addi %scan3A_33, %scan3A_34 : i32
    %scan3A_36 = arith.constant 1 : i32
    scf.for %scan3A_80 = %scan3A_33 to %scan3A_35 step %scan3A_36  : i32 {
      %mul3A_81 = arith.constant 16 : i32
      %mul3A_82 = arith.muli %scan3A_80, %mul3A_81 : i32
      %multiple_of3A = tpu.assume_multiple %mul3A_82, 16 : i32
      %broadcast_in_dim3A = arith.constant 0 : i32
      %broadcast_in_dim3A_83 = vector.broadcast %broadcast_in_dim3A : i32 to vector<16xi32>
      %broadcast_in_dim3A_84 = arith.constant 0 : i32
      %broadcast_in_dim3A_85 = vector.broadcast %broadcast_in_dim3A_84 : i32 to vector<16xi32>
      %div3A_86 = arith.constant 4 : i32
      %div3A_87 = arith.divsi %scan3A_80, %div3A_86 : i32
      %rem3A_88 = arith.constant 4 : i32
      %rem3A_89 = arith.remsi %scan3A_80, %rem3A_88 : i32
      %mul3A_90 = arith.constant 16 : i32
      %mul3A_91 = arith.muli %rem3A_89, %mul3A_90 : i32
      %get3A = arith.constant 0 : i32
      %get3A_92 = arith.index_cast %get3A : i32 to index
      %get3A_93 = arith.index_cast %div3A_87 : i32 to index
      %get3A_94 = arith.index_cast %mul3A_91 : i32 to index
      %get3A_95 = tpu.vector_load %arg4[%get3A_92, %get3A_93, %get3A_94] {strides = array<i32>} : memref<5x32x64xi32, #tpu.memory_space<vmem>>, vector<1x1x16xi32>,
      %get3A_96 = vector.shape_cast %get3A_95 : vector<1x1x16xi32> to vector<16xi32>
      %sub3A_97 = arith.constant 1 : i32
      %sub3A_98 = vector.broadcast %sub3A_97 : i32 to vector<16xi32>
      %sub3A_99 = arith.subi %get3A_96, %sub3A_98 : vector<16xi32>
      %abs3A = math.absi %sub3A_99 : vector<16xi32>
      %min3A = arith.constant 1 : i32
      %min3A_100 = vector.broadcast %min3A : i32 to vector<16xi32>
      %min3A_101 = arith.minsi %abs3A, %min3A_100 : vector<16xi32>
      %sub3A_102 = arith.constant 1 : i32
      %sub3A_103 = vector.broadcast %sub3A_102 : i32 to vector<16xi32>
      %sub3A_104 = arith.subi %sub3A_103, %min3A_101 : vector<16xi32>
      %add3A_105 = arith.addi %broadcast_in_dim3A_83, %sub3A_104 : vector<16xi32>
      %neg3A = arith.constant 0 : i32
      %neg3A_106 = vector.broadcast %neg3A : i32 to vector<16xi32>
      %neg3A_107 = arith.subi %neg3A_106, %get3A_96 : vector<16xi32>
      %max3A = arith.constant 0 : i32
      %max3A_108 = vector.broadcast %max3A : i32 to vector<16xi32>
      %max3A_109 = arith.maxsi %neg3A_107, %max3A_108 : vector<16xi32>
      %min3A_110 = arith.constant 1 : i32
      %min3A_111 = vector.broadcast %min3A_110 : i32 to vector<16xi32>
      %min3A_112 = arith.minsi %max3A_109, %min3A_111 : vector<16xi32>
      %sub3A_113 = arith.constant 1 : i32
      %sub3A_114 = vector.broadcast %sub3A_113 : i32 to vector<16xi32>
      %sub3A_115 = arith.subi %sub3A_114, %min3A_112 : vector<16xi32>
      %add3A_116 = arith.addi %broadcast_in_dim3A_85, %sub3A_115 : vector<16xi32>
      %div3A_117 = arith.constant 4 : i32
      %div3A_118 = arith.divsi %scan3A_80, %div3A_117 : i32
      %rem3A_119 = arith.constant 4 : i32
      %rem3A_120 = arith.remsi %scan3A_80, %rem3A_119 : i32
      %mul3A_121 = arith.constant 16 : i32
      %mul3A_122 = arith.muli %rem3A_120, %mul3A_121 : i32
      %get3A_123 = arith.constant 1 : i32
      %get3A_124 = arith.index_cast %get3A_123 : i32 to index
      %get3A_125 = arith.index_cast %div3A_118 : i32 to index
      %get3A_126 = arith.index_cast %mul3A_122 : i32 to index
      %get3A_127 = tpu.vector_load %arg4[%get3A_124, %get3A_125, %get3A_126] {strides = array<i32>} : memref<5x32x64xi32, #tpu.memory_space<vmem>>, vector<1x1x16xi32>,
      %get3A_128 = vector.shape_cast %get3A_127 : vector<1x1x16xi32> to vector<16xi32>
      %sub3A_129 = arith.constant 1 : i32
      %sub3A_130 = vector.broadcast %sub3A_129 : i32 to vector<16xi32>
      %sub3A_131 = arith.subi %get3A_128, %sub3A_130 : vector<16xi32>
      %abs3A_132 = math.absi %sub3A_131 : vector<16xi32>
      %min3A_133 = arith.constant 1 : i32
      %min3A_134 = vector.broadcast %min3A_133 : i32 to vector<16xi32>
      %min3A_135 = arith.minsi %abs3A_132, %min3A_134 : vector<16xi32>
      %sub3A_136 = arith.constant 1 : i32
      %sub3A_137 = vector.broadcast %sub3A_136 : i32 to vector<16xi32>
      %sub3A_138 = arith.subi %sub3A_137, %min3A_135 : vector<16xi32>
      %add3A_139 = arith.addi %add3A_105, %sub3A_138 : vector<16xi32>
      %neg3A_140 = arith.constant 0 : i32
      %neg3A_141 = vector.broadcast %neg3A_140 : i32 to vector<16xi32>
      %neg3A_142 = arith.subi %neg3A_141, %get3A_128 : vector<16xi32>
      %max3A_143 = arith.constant 0 : i32
      %max3A_144 = vector.broadcast %max3A_143 : i32 to vector<16xi32>
      %max3A_145 = arith.maxsi %neg3A_142, %max3A_144 : vector<16xi32>
      %min3A_146 = arith.constant 1 : i32
      %min3A_147 = vector.broadcast %min3A_146 : i32 to vector<16xi32>
      %min3A_148 = arith.minsi %max3A_145, %min3A_147 : vector<16xi32>
      %sub3A_149 = arith.constant 1 : i32
      %sub3A_150 = vector.broadcast %sub3A_149 : i32 to vector<16xi32>
      %sub3A_151 = arith.subi %sub3A_150, %min3A_148 : vector<16xi32>
      %add3A_152 = arith.addi %add3A_116, %sub3A_151 : vector<16xi32>
      %div3A_153 = arith.constant 4 : i32
      %div3A_154 = arith.divsi %scan3A_80, %div3A_153 : i32
      %rem3A_155 = arith.constant 4 : i32
      %rem3A_156 = arith.remsi %scan3A_80, %rem3A_155 : i32
      %mul3A_157 = arith.constant 16 : i32
      %mul3A_158 = arith.muli %rem3A_156, %mul3A_157 : i32
      %get3A_159 = arith.constant 2 : i32
      %get3A_160 = arith.index_cast %get3A_159 : i32 to index
      %get3A_161 = arith.index_cast %div3A_154 : i32 to index
      %get3A_162 = arith.index_cast %mul3A_158 : i32 to index
      %get3A_163 = tpu.vector_load %arg4[%get3A_160, %get3A_161, %get3A_162] {strides = array<i32>} : memref<5x32x64xi32, #tpu.memory_space<vmem>>, vector<1x1x16xi32>,
      %get3A_164 = vector.shape_cast %get3A_163 : vector<1x1x16xi32> to vector<16xi32>
      %sub3A_165 = arith.constant 1 : i32
      %sub3A_166 = vector.broadcast %sub3A_165 : i32 to vector<16xi32>
      %sub3A_167 = arith.subi %get3A_164, %sub3A_166 : vector<16xi32>
      %abs3A_168 = math.absi %sub3A_167 : vector<16xi32>
      %min3A_169 = arith.constant 1 : i32
      %min3A_170 = vector.broadcast %min3A_169 : i32 to vector<16xi32>
      %min3A_171 = arith.minsi %abs3A_168, %min3A_170 : vector<16xi32>
      %sub3A_172 = arith.constant 1 : i32
      %sub3A_173 = vector.broadcast %sub3A_172 : i32 to vector<16xi32>
      %sub3A_174 = arith.subi %sub3A_173, %min3A_171 : vector<16xi32>
      %add3A_175 = arith.addi %add3A_139, %sub3A_174 : vector<16xi32>
      %neg3A_176 = arith.constant 0 : i32
      %neg3A_177 = vector.broadcast %neg3A_176 : i32 to vector<16xi32>
      %neg3A_178 = arith.subi %neg3A_177, %get3A_164 : vector<16xi32>
      %max3A_179 = arith.constant 0 : i32
      %max3A_180 = vector.broadcast %max3A_179 : i32 to vector<16xi32>
      %max3A_181 = arith.maxsi %neg3A_178, %max3A_180 : vector<16xi32>
      %min3A_182 = arith.constant 1 : i32
      %min3A_183 = vector.broadcast %min3A_182 : i32 to vector<16xi32>
      %min3A_184 = arith.minsi %max3A_181, %min3A_183 : vector<16xi32>
      %sub3A_185 = arith.constant 1 : i32
      %sub3A_186 = vector.broadcast %sub3A_185 : i32 to vector<16xi32>
      %sub3A_187 = arith.subi %sub3A_186, %min3A_184 : vector<16xi32>
      %add3A_188 = arith.addi %add3A_152, %sub3A_187 : vector<16xi32>
      %div3A_189 = arith.constant 4 : i32
      %div3A_190 = arith.divsi %scan3A_80, %div3A_189 : i32
      %rem3A_191 = arith.constant 4 : i32
      %rem3A_192 = arith.remsi %scan3A_80, %rem3A_191 : i32
      %mul3A_193 = arith.constant 16 : i32
      %mul3A_194 = arith.muli %rem3A_192, %mul3A_193 : i32
      %get3A_195 = arith.constant 3 : i32
      %get3A_196 = arith.index_cast %get3A_195 : i32 to index
      %get3A_197 = arith.index_cast %div3A_190 : i32 to index
      %get3A_198 = arith.index_cast %mul3A_194 : i32 to index
      %get3A_199 = tpu.vector_load %arg4[%get3A_196, %get3A_197, %get3A_198] {strides = array<i32>} : memref<5x32x64xi32, #tpu.memory_space<vmem>>, vector<1x1x16xi32>,
      %get3A_200 = vector.shape_cast %get3A_199 : vector<1x1x16xi32> to vector<16xi32>
      %sub3A_201 = arith.constant 1 : i32
      %sub3A_202 = vector.broadcast %sub3A_201 : i32 to vector<16xi32>
      %sub3A_203 = arith.subi %get3A_200, %sub3A_202 : vector<16xi32>
      %abs3A_204 = math.absi %sub3A_203 : vector<16xi32>
      %min3A_205 = arith.constant 1 : i32
      %min3A_206 = vector.broadcast %min3A_205 : i32 to vector<16xi32>
      %min3A_207 = arith.minsi %abs3A_204, %min3A_206 : vector<16xi32>
      %sub3A_208 = arith.constant 1 : i32
      %sub3A_209 = vector.broadcast %sub3A_208 : i32 to vector<16xi32>
      %sub3A_210 = arith.subi %sub3A_209, %min3A_207 : vector<16xi32>
      %add3A_211 = arith.addi %add3A_175, %sub3A_210 : vector<16xi32>
      %neg3A_212 = arith.constant 0 : i32
      %neg3A_213 = vector.broadcast %neg3A_212 : i32 to vector<16xi32>
      %neg3A_214 = arith.subi %neg3A_213, %get3A_200 : vector<16xi32>
      %max3A_215 = arith.constant 0 : i32
      %max3A_216 = vector.broadcast %max3A_215 : i32 to vector<16xi32>
      %max3A_217 = arith.maxsi %neg3A_214, %max3A_216 : vector<16xi32>
      %min3A_218 = arith.constant 1 : i32
      %min3A_219 = vector.broadcast %min3A_218 : i32 to vector<16xi32>
      %min3A_220 = arith.minsi %max3A_217, %min3A_219 : vector<16xi32>
      %sub3A_221 = arith.constant 1 : i32
      %sub3A_222 = vector.broadcast %sub3A_221 : i32 to vector<16xi32>
      %sub3A_223 = arith.subi %sub3A_222, %min3A_220 : vector<16xi32>
      %add3A_224 = arith.addi %add3A_188, %sub3A_223 : vector<16xi32>
      %div3A_225 = arith.constant 4 : i32
      %div3A_226 = arith.divsi %scan3A_80, %div3A_225 : i32
      %rem3A_227 = arith.constant 4 : i32
      %rem3A_228 = arith.remsi %scan3A_80, %rem3A_227 : i32
      %mul3A_229 = arith.constant 16 : i32
      %mul3A_230 = arith.muli %rem3A_228, %mul3A_229 : i32
      %get3A_231 = arith.constant 4 : i32
      %get3A_232 = arith.index_cast %get3A_231 : i32 to index
      %get3A_233 = arith.index_cast %div3A_226 : i32 to index
      %get3A_234 = arith.index_cast %mul3A_230 : i32 to index
      %get3A_235 = tpu.vector_load %arg4[%get3A_232, %get3A_233, %get3A_234] {strides = array<i32>} : memref<5x32x64xi32, #tpu.memory_space<vmem>>, vector<1x1x16xi32>,
      %get3A_236 = vector.shape_cast %get3A_235 : vector<1x1x16xi32> to vector<16xi32>
      %sub3A_237 = arith.constant 1 : i32
      %sub3A_238 = vector.broadcast %sub3A_237 : i32 to vector<16xi32>
      %sub3A_239 = arith.subi %get3A_236, %sub3A_238 : vector<16xi32>
      %abs3A_240 = math.absi %sub3A_239 : vector<16xi32>
      %min3A_241 = arith.constant 1 : i32
      %min3A_242 = vector.broadcast %min3A_241 : i32 to vector<16xi32>
      %min3A_243 = arith.minsi %abs3A_240, %min3A_242 : vector<16xi32>
      %sub3A_244 = arith.constant 1 : i32
      %sub3A_245 = vector.broadcast %sub3A_244 : i32 to vector<16xi32>
      %sub3A_246 = arith.subi %sub3A_245, %min3A_243 : vector<16xi32>
      %add3A_247 = arith.addi %add3A_211, %sub3A_246 : vector<16xi32>
      %neg3A_248 = arith.constant 0 : i32
      %neg3A_249 = vector.broadcast %neg3A_248 : i32 to vector<16xi32>
      %neg3A_250 = arith.subi %neg3A_249, %get3A_236 : vector<16xi32>
      %max3A_251 = arith.constant 0 : i32
      %max3A_252 = vector.broadcast %max3A_251 : i32 to vector<16xi32>
      %max3A_253 = arith.maxsi %neg3A_250, %max3A_252 : vector<16xi32>
      %min3A_254 = arith.constant 1 : i32
      %min3A_255 = vector.broadcast %min3A_254 : i32 to vector<16xi32>
      %min3A_256 = arith.minsi %max3A_253, %min3A_255 : vector<16xi32>
      %sub3A_257 = arith.constant 1 : i32
      %sub3A_258 = vector.broadcast %sub3A_257 : i32 to vector<16xi32>
      %sub3A_259 = arith.subi %sub3A_258, %min3A_256 : vector<16xi32>
      %add3A_260 = arith.addi %add3A_224, %sub3A_259 : vector<16xi32>
      %min3A_261 = arith.constant 1 : i32
      %min3A_262 = vector.broadcast %min3A_261 : i32 to vector<16xi32>
      %min3A_263 = arith.minsi %add3A_247, %min3A_262 : vector<16xi32>
      %min3A_264 = arith.constant 1 : i32
      %min3A_265 = vector.broadcast %min3A_264 : i32 to vector<16xi32>
      %min3A_266 = arith.minsi %add3A_260, %min3A_265 : vector<16xi32>
      %sub3A_267 = arith.constant 1 : i32
      %sub3A_268 = vector.broadcast %sub3A_267 : i32 to vector<16xi32>
      %sub3A_269 = arith.subi %sub3A_268, %min3A_263 : vector<16xi32>
      %mul3A_270 = arith.muli %min3A_266, %sub3A_269 : vector<16xi32>
      %convert_element_type3A = arith.sitofp %min3A_263 : vector<16xi32> to vector<16xf32>
      %swap3A = arith.constant 0 : i32
      %swap3A_271 = arith.index_cast %swap3A : i32 to index
      %swap3A_272 = arith.index_cast %multiple_of3A : i32 to index
      %swap3A_273 = tpu.vector_load %arg5[%swap3A_271, %swap3A_272] {strides = array<i32>} : memref<2x2048xf32, #tpu.memory_space<vmem>>, vector<1x16xf32>,
      %swap3A_274 = vector.shape_cast %swap3A_273 : vector<1x16xf32> to vector<16xf32>
      %swap3A_275 = vector.shape_cast %convert_element_type3A : vector<16xf32> to vector<1x16xf32>
      tpu.vector_store %arg5[%swap3A_271, %swap3A_272], %swap3A_275 {strides = array<i32>} : memref<2x2048xf32, #tpu.memory_space<vmem>>, vector<1x16xf32>,
      %convert_element_type3A_276 = arith.sitofp %mul3A_270 : vector<16xi32> to vector<16xf32>
      %swap3A_277 = arith.constant 1 : i32
      %swap3A_278 = arith.index_cast %swap3A_277 : i32 to index
      %swap3A_279 = arith.index_cast %multiple_of3A : i32 to index
      %swap3A_280 = tpu.vector_load %arg5[%swap3A_278, %swap3A_279] {strides = array<i32>} : memref<2x2048xf32, #tpu.memory_space<vmem>>, vector<1x16xf32>,
      %swap3A_281 = vector.shape_cast %swap3A_280 : vector<1x16xf32> to vector<16xf32>
      %swap3A_282 = vector.shape_cast %convert_element_type3A_276 : vector<16xf32> to vector<1x16xf32>
      tpu.vector_store %arg5[%swap3A_278, %swap3A_279], %swap3A_282 {strides = array<i32>} : memref<2x2048xf32, #tpu.memory_space<vmem>>, vector<1x16xf32>,
    }
    %scan3A_37 = arith.constant 128 : i32
    %jit3A_38 = arith.constant 4 : i32
    %div3A_39 = arith.divsi %add3A, %jit3A_38 : i32
    %sign3A_40 = arith.constant 0 : i32
    %sign3A_41 = arith.cmpi sgt, %add3A, %sign3A_40 : i32
    %sign3A_42 = arith.extui %sign3A_41 : i1 to i32
    %sign3A_43 = arith.constant 0 : i32
    %sign3A_44 = arith.cmpi slt, %add3A, %sign3A_43 : i32
    %sign3A_45 = arith.extui %sign3A_44 : i1 to i32
    %sign3A_46 = arith.subi %sign3A_42, %sign3A_45 : i32
    %sign3A_47 = arith.constant 0 : i32
    %sign3A_48 = arith.cmpi sgt, %jit3A_38, %sign3A_47 : i32
    %sign3A_49 = arith.extui %sign3A_48 : i1 to i32
    %sign3A_50 = arith.constant 0 : i32
    %sign3A_51 = arith.cmpi slt, %jit3A_38, %sign3A_50 : i32
    %sign3A_52 = arith.extui %sign3A_51 : i1 to i32
    %sign3A_53 = arith.subi %sign3A_49, %sign3A_52 : i32
    %ne3A_54 = arith.cmpi ne, %sign3A_46, %sign3A_53 : i32
    %rem3A_55 = arith.remsi %add3A, %jit3A_38 : i32
    %ne3A_56 = arith.constant 0 : i32
    %ne3A_57 = arith.cmpi ne, %rem3A_55, %ne3A_56 : i32
    %and3A_58 = arith.andi %ne3A_54, %ne3A_57 : i1
    %sub3A_59 = arith.constant 1 : i32
    %sub3A_60 = arith.subi %div3A_39, %sub3A_59 : i32
    %select_n3A_61 = arith.select %and3A_58, %sub3A_60, %div3A_39 : i32
    %jit3A_62 = arith.constant 4 : i32
    %eq3A_63 = arith.constant 0 : i32
    %eq3A_64 = arith.cmpi eq, %jit3A_62, %eq3A_63 : i32
    %jit3A_65 = arith.constant 1 : i32
    %select_n3A_66 = arith.select %eq3A_64, %jit3A_65, %jit3A_62 : i32
    %rem3A_67 = arith.remsi %add3A, %select_n3A_66 : i32
    %ne3A_68 = arith.constant 0 : i32
    %ne3A_69 = arith.cmpi ne, %rem3A_67, %ne3A_68 : i32
    %lt3A_70 = arith.constant 0 : i32
    %lt3A_71 = arith.cmpi slt, %rem3A_67, %lt3A_70 : i32
    %lt3A_72 = arith.constant 0 : i32
    %lt3A_73 = arith.cmpi slt, %select_n3A_66, %lt3A_72 : i32
    %ne3A_74 = arith.xori %lt3A_71, %lt3A_73 : i1
    %and3A_75 = arith.andi %ne3A_74, %ne3A_69 : i1
    %add3A_76 = arith.addi %rem3A_67, %select_n3A_66 : i32
    %select_n3A_77 = arith.select %and3A_75, %add3A_76, %rem3A_67 : i32
    %mul3A_78 = arith.constant 2048 : i32
    %mul3A_79 = arith.muli %select_n3A_77, %mul3A_78 : i32
    "tpu.region"() ({
      %run_scoped3A = tpu.sem_alloc : memref<!tpu.dma_semaphore, #tpu.memory_space<semaphore_mem>>
      %dma_start3A = arith.constant 0 : i32
      %dma_start3A_80 = tpu.memref_slice %arg3[%select_n3A_61, %dma_start3A, %mul3A_79] : memref<8x2x8192xf32, #tpu.memory_space<hbm>> -> memref<1x2x2048xf32, #tpu.memory_space<hbm>>
      %dma_start3A_81 = tpu.memref_squeeze %dma_start3A_80 : memref<1x2x2048xf32, #tpu.memory_space<hbm>> -> memref<2x2048xf32, #tpu.memory_space<hbm>>
      %dma_start3A_82 = arith.constant 0 : i32
      %dma_start3A_83 = tpu.memref_slice %arg3[%select_n3A_61, %dma_start3A_82, %mul3A_79] : memref<8x2x8192xf32, #tpu.memory_space<hbm>> -> memref<1x2x2048xf32, #tpu.memory_space<hbm>>
      %dma_start3A_84 = tpu.memref_squeeze %dma_start3A_83 : memref<1x2x2048xf32, #tpu.memory_space<hbm>> -> memref<2x2048xf32, #tpu.memory_space<hbm>>
      tpu.enqueue_dma source(%arg5 : memref<2x2048xf32, #tpu.memory_space<vmem>>) target(%dma_start3A_84 : memref<2x2048xf32, #tpu.memory_space<hbm>>) target_semaphore(%run_scoped3A : memref<!tpu.dma_semaphore, #tpu.memory_space<semaphore_mem>>)
      %dma_wait3A = arith.constant 0 : i32
      %dma_wait3A_85 = tpu.memref_slice %arg3[%select_n3A_61, %dma_wait3A, %mul3A_79] : memref<8x2x8192xf32, #tpu.memory_space<hbm>> -> memref<1x2x2048xf32, #tpu.memory_space<hbm>>
      %dma_wait3A_86 = tpu.memref_squeeze %dma_wait3A_85 : memref<1x2x2048xf32, #tpu.memory_space<hbm>> -> memref<2x2048xf32, #tpu.memory_space<hbm>>
      %dma_wait3A_87 = arith.constant 0 : i32
      %dma_wait3A_88 = tpu.memref_slice %arg3[%select_n3A_61, %dma_wait3A_87, %mul3A_79] : memref<8x2x8192xf32, #tpu.memory_space<hbm>> -> memref<1x2x2048xf32, #tpu.memory_space<hbm>>
      %dma_wait3A_89 = tpu.memref_squeeze %dma_wait3A_88 : memref<1x2x2048xf32, #tpu.memory_space<hbm>> -> memref<2x2048xf32, #tpu.memory_space<hbm>>
      tpu.wait_dma2 semaphore(%run_scoped3A : memref<!tpu.dma_semaphore, #tpu.memory_space<semaphore_mem>>) src(%arg5 : memref<2x2048xf32, #tpu.memory_space<vmem>>) dst(%dma_wait3A_89 : memref<2x2048xf32, #tpu.memory_space<hbm>>)
      tpu.yield
    }) : () -> ()
    return
  }
}

module attributes {stable_mosaic.version = 14 : i64} {
  func.func @_sums_body(%arg0: i32, %arg1: memref<8192x256xbf16, #tpu.memory_space<vmem>>, %arg2: memref<1x2x8192xf32, #tpu.memory_space<vmem>>, %arg3: memref<2x256xf32, #tpu.memory_space<vmem>>, %arg4: memref<4x256xf32, #tpu.memory_space<vmem>>, %arg5: memref<2x512xf32, #tpu.memory_space<vmem>>, %arg6: memref<2x256xf32, #tpu.memory_space<vmem>>) attributes {dimension_semantics = [#tpu.dimension_semantics<arbitrary>], iteration_bounds = array<i64: 8>, scalar_prefetch = 0 : i64, scratch_operands = 2 : i64, tpu.core_type = #tpu.core_type<tc>, window_params = [{transform_indices = @transform_0, window_bounds = array<i64: 8192, 256>}, {transform_indices = @transform_1, window_bounds = array<i64: 1, 2, 8192>}, {pipeline_mode = #tpu.pipeline_mode<synchronous>, transform_indices = @transform_2, window_bounds = array<i64: 2, 256>}, {pipeline_mode = #tpu.pipeline_mode<synchronous>, transform_indices = @transform_3, window_bounds = array<i64: 4, 256>}]} {
    %eq3A = arith.constant 0 : i32
    %eq3A_0 = arith.cmpi eq, %arg0, %eq3A : i32
    %convert_element_type3A = arith.extui %eq3A_0 : i1 to i32
    %cond3A = arith.constant 0 : i32
    %cond3A_1 = arith.cmpi ne, %convert_element_type3A, %cond3A : i32
    scf.if %cond3A_1 {
      %broadcast_in_dim3A = arith.constant 0.000000e+00 : f32
      %broadcast_in_dim3A_56 = vector.broadcast %broadcast_in_dim3A : f32 to vector<2x512xf32>
      %swap3A_57 = arith.constant 0 : index
      %swap3A_58 = arith.constant 0 : index
      %swap3A_59 = vector.load %arg5[%swap3A_57, %swap3A_58] : memref<2x512xf32, #tpu.memory_space<vmem>>, vector<2x512xf32>
      tpu.vector_store %arg5[%swap3A_57, %swap3A_58], %broadcast_in_dim3A_56 {strides = array<i32>} : memref<2x512xf32, #tpu.memory_space<vmem>>, vector<2x512xf32>,
      %broadcast_in_dim3A_60 = arith.constant 0.000000e+00 : f32
      %broadcast_in_dim3A_61 = vector.broadcast %broadcast_in_dim3A_60 : f32 to vector<2x256xf32>
      %swap3A_62 = arith.constant 0 : index
      %swap3A_63 = arith.constant 0 : index
      %swap3A_64 = vector.load %arg6[%swap3A_62, %swap3A_63] : memref<2x256xf32, #tpu.memory_space<vmem>>, vector<2x256xf32>
      tpu.vector_store %arg6[%swap3A_62, %swap3A_63], %broadcast_in_dim3A_61 {strides = array<i32>} : memref<2x256xf32, #tpu.memory_space<vmem>>, vector<2x256xf32>,
    } else {
    }
    %get3A = arith.constant 0 : index
    %get3A_2 = arith.constant 0 : index
    %get3A_3 = vector.load %arg1[%get3A, %get3A_2] : memref<8192x256xbf16, #tpu.memory_space<vmem>>, vector<8192x256xbf16>
    %get3A_4 = arith.constant 0 : index
    %get3A_5 = arith.constant 0 : index
    %get3A_6 = vector.load %arg3[%get3A_4, %get3A_5] : memref<2x256xf32, #tpu.memory_space<vmem>>, vector<1x256xf32>
    %convert_element_type3A_7 = arith.truncf %get3A_6 : vector<1x256xf32> to vector<1x256xbf16>
    %get3A_8 = arith.constant 1 : index
    %get3A_9 = arith.constant 0 : index
    %get3A_10 = vector.load %arg3[%get3A_8, %get3A_9] : memref<2x256xf32, #tpu.memory_space<vmem>>, vector<1x256xf32>
    %convert_element_type3A_11 = arith.truncf %get3A_10 : vector<1x256xf32> to vector<1x256xbf16>
    %mul3A = vector.broadcast %convert_element_type3A_7 : vector<1x256xbf16> to vector<8192x256xbf16>
    %mul3A_12 = arith.mulf %mul3A, %get3A_3 : vector<8192x256xbf16>
    %add3A = vector.broadcast %convert_element_type3A_11 : vector<1x256xbf16> to vector<8192x256xbf16>
    %add3A_13 = arith.addf %mul3A_12, %add3A : vector<8192x256xbf16>
    %max3A = arith.constant 0.000000e+00 : bf16
    %max3A_14 = vector.broadcast %max3A : bf16 to vector<8192x256xbf16>
    %max3A_15 = arith.maximumf %add3A_13, %max3A_14 : vector<8192x256xbf16>
    %mul3A_16 = arith.mulf %max3A_15, %max3A_15 : vector<8192x256xbf16>
    %concatenate3A = tpu.concatenate %max3A_15, %mul3A_16 in 1 : vector<8192x256xbf16>, vector<8192x256xbf16> -> vector<8192x512xbf16>
    %get3A_17 = arith.constant 0 : index
    %get3A_18 = arith.constant 0 : index
    %get3A_19 = arith.constant 0 : index
    %get3A_20 = vector.load %arg2[%get3A_17, %get3A_18, %get3A_19] : memref<1x2x8192xf32, #tpu.memory_space<vmem>>, vector<1x2x8192xf32>
    %get3A_21 = vector.shape_cast %get3A_20 : vector<1x2x8192xf32> to vector<2x8192xf32>
    %get3A_22 = arith.constant 0 : index
    %get3A_23 = arith.constant 0 : index
    %get3A_24 = vector.load %arg5[%get3A_22, %get3A_23] : memref<2x512xf32, #tpu.memory_space<vmem>>, vector<2x512xf32>
    %convert_element_type3A_25 = arith.truncf %get3A_21 : vector<2x8192xf32> to vector<2x8192xbf16>
    %dot_general3A = arith.constant dense<0.000000e+00> : vector<2x512xf32>
    %dot_general3A_26 = tpu.matmul %convert_element_type3A_25, %concatenate3A, %dot_general3A {dimension_numbers = #tpu.dot_dimension_numbers<[1], [0], [0], [1], [0, 0, 1, 1], [], []>, transpose_lhs_hint = false} : vector<2x8192xbf16>, vector<8192x512xbf16>, vector<2x512xf32> -> vector<2x512xf32>
    %add3A_27 = arith.addf %get3A_24, %dot_general3A_26 : vector<2x512xf32>
    %swap3A = arith.constant 0 : index
    %swap3A_28 = arith.constant 0 : index
    %swap3A_29 = vector.load %arg5[%swap3A, %swap3A_28] : memref<2x512xf32, #tpu.memory_space<vmem>>, vector<2x512xf32>
    tpu.vector_store %arg5[%swap3A, %swap3A_28], %add3A_27 {strides = array<i32>} : memref<2x512xf32, #tpu.memory_space<vmem>>, vector<2x512xf32>,
    %get3A_30 = arith.constant 0 : index
    %get3A_31 = arith.constant 0 : index
    %get3A_32 = vector.load %arg6[%get3A_30, %get3A_31] : memref<2x256xf32, #tpu.memory_space<vmem>>, vector<2x256xf32>
    %slice3A = vector.extract_strided_slice %get3A_21 {offsets = [0, 0], sizes = [2, 4096], strides = [1, 1]} : vector<2x8192xf32> to vector<2x4096xf32>
    %slice3A_33 = vector.extract_strided_slice %get3A_21 {offsets = [0, 4096], sizes = [2, 4096], strides = [1, 1]} : vector<2x8192xf32> to vector<2x4096xf32>
    %add3A_34 = arith.addf %slice3A, %slice3A_33 : vector<2x4096xf32>
    %slice3A_35 = vector.extract_strided_slice %add3A_34 {offsets = [0, 0], sizes = [2, 2048], strides = [1, 1]} : vector<2x4096xf32> to vector<2x2048xf32>
    %slice3A_36 = vector.extract_strided_slice %add3A_34 {offsets = [0, 2048], sizes = [2, 2048], strides = [1, 1]} : vector<2x4096xf32> to vector<2x2048xf32>
    %add3A_37 = arith.addf %slice3A_35, %slice3A_36 : vector<2x2048xf32>
    %slice3A_38 = vector.extract_strided_slice %add3A_37 {offsets = [0, 0], sizes = [2, 1024], strides = [1, 1]} : vector<2x2048xf32> to vector<2x1024xf32>
    %slice3A_39 = vector.extract_strided_slice %add3A_37 {offsets = [0, 1024], sizes = [2, 1024], strides = [1, 1]} : vector<2x2048xf32> to vector<2x1024xf32>
    %add3A_40 = arith.addf %slice3A_38, %slice3A_39 : vector<2x1024xf32>
    %slice3A_41 = vector.extract_strided_slice %add3A_40 {offsets = [0, 0], sizes = [2, 512], strides = [1, 1]} : vector<2x1024xf32> to vector<2x512xf32>
    %slice3A_42 = vector.extract_strided_slice %add3A_40 {offsets = [0, 512], sizes = [2, 512], strides = [1, 1]} : vector<2x1024xf32> to vector<2x512xf32>
    %add3A_43 = arith.addf %slice3A_41, %slice3A_42 : vector<2x512xf32>
    %slice3A_44 = vector.extract_strided_slice %add3A_43 {offsets = [0, 0], sizes = [2, 256], strides = [1, 1]} : vector<2x512xf32> to vector<2x256xf32>
    %slice3A_45 = vector.extract_strided_slice %add3A_43 {offsets = [0, 256], sizes = [2, 256], strides = [1, 1]} : vector<2x512xf32> to vector<2x256xf32>
    %add3A_46 = arith.addf %slice3A_44, %slice3A_45 : vector<2x256xf32>
    %add3A_47 = arith.addf %get3A_32, %add3A_46 : vector<2x256xf32>
    %swap3A_48 = arith.constant 0 : index
    %swap3A_49 = arith.constant 0 : index
    %swap3A_50 = vector.load %arg6[%swap3A_48, %swap3A_49] : memref<2x256xf32, #tpu.memory_space<vmem>>, vector<2x256xf32>
    tpu.vector_store %arg6[%swap3A_48, %swap3A_49], %add3A_47 {strides = array<i32>} : memref<2x256xf32, #tpu.memory_space<vmem>>, vector<2x256xf32>,
    %eq3A_51 = arith.constant 7 : i32
    %eq3A_52 = arith.cmpi eq, %arg0, %eq3A_51 : i32
    %convert_element_type3A_53 = arith.extui %eq3A_52 : i1 to i32
    %cond3A_54 = arith.constant 0 : i32
    %cond3A_55 = arith.cmpi ne, %convert_element_type3A_53, %cond3A_54 : i32
    scf.if %cond3A_55 {
      %get3A_56 = arith.constant 0 : index
      %get3A_57 = arith.constant 0 : index
      %get3A_58 = vector.load %arg6[%get3A_56, %get3A_57] : memref<2x256xf32, #tpu.memory_space<vmem>>, vector<1x256xf32>
      %reduce_sum3A = vector.shape_cast %get3A_58 : vector<1x256xf32> to vector<1x1x256xf32>
      %reduce_sum3A_59 = arith.constant dense<0.000000e+00> : vector<1xf32>
      %reduce_sum3A_60 = vector.multi_reduction <add>, %reduce_sum3A, %reduce_sum3A_59 [1, 2] : vector<1x1x256xf32> to vector<1xf32>
      %reduce_sum3A_61 = vector.shape_cast %reduce_sum3A_60 : vector<1xf32> to vector<1x1x1xf32>
      %reduce_sum3A_62 = vector.extract %reduce_sum3A_61[0, 0, 0] : f32 from vector<1x1x1xf32>
      %get3A_63 = arith.constant 1 : index
      %get3A_64 = arith.constant 0 : index
      %get3A_65 = vector.load %arg6[%get3A_63, %get3A_64] : memref<2x256xf32, #tpu.memory_space<vmem>>, vector<1x256xf32>
      %reduce_sum3A_66 = vector.shape_cast %get3A_65 : vector<1x256xf32> to vector<1x1x256xf32>
      %reduce_sum3A_67 = arith.constant dense<0.000000e+00> : vector<1xf32>
      %reduce_sum3A_68 = vector.multi_reduction <add>, %reduce_sum3A_66, %reduce_sum3A_67 [1, 2] : vector<1x1x256xf32> to vector<1xf32>
      %reduce_sum3A_69 = vector.shape_cast %reduce_sum3A_68 : vector<1xf32> to vector<1x1x1xf32>
      %reduce_sum3A_70 = vector.extract %reduce_sum3A_69[0, 0, 0] : f32 from vector<1x1x1xf32>
      %get3A_71 = arith.constant 0 : index
      %get3A_72 = arith.constant 0 : index
      %get3A_73 = vector.load %arg5[%get3A_71, %get3A_72] : memref<2x512xf32, #tpu.memory_space<vmem>>, vector<1x256xf32>
      %div3A = vector.broadcast %reduce_sum3A_62 : f32 to vector<1x256xf32>
      %div3A_74 = arith.divf %get3A_73, %div3A : vector<1x256xf32>
      %get3A_75 = arith.constant 1 : index
      %get3A_76 = arith.constant 0 : index
      %get3A_77 = vector.load %arg5[%get3A_75, %get3A_76] : memref<2x512xf32, #tpu.memory_space<vmem>>, vector<1x256xf32>
      %div3A_78 = vector.broadcast %reduce_sum3A_70 : f32 to vector<1x256xf32>
      %div3A_79 = arith.divf %get3A_77, %div3A_78 : vector<1x256xf32>
      %get3A_80 = arith.constant 0 : index
      %get3A_81 = arith.constant 256 : index
      %get3A_82 = vector.load %arg5[%get3A_80, %get3A_81] : memref<2x512xf32, #tpu.memory_space<vmem>>, vector<1x256xf32>
      %get3A_83 = arith.constant 1 : index
      %get3A_84 = arith.constant 256 : index
      %get3A_85 = vector.load %arg5[%get3A_83, %get3A_84] : memref<2x512xf32, #tpu.memory_space<vmem>>, vector<1x256xf32>
      %mul3A_86 = vector.broadcast %reduce_sum3A_62 : f32 to vector<1x256xf32>
      %mul3A_87 = arith.mulf %mul3A_86, %div3A_74 : vector<1x256xf32>
      %mul3A_88 = arith.mulf %mul3A_87, %div3A_74 : vector<1x256xf32>
      %sub3A = arith.subf %get3A_82, %mul3A_88 : vector<1x256xf32>
      %sub3A_89 = arith.constant 1.000000e+00 : f32
      %sub3A_90 = arith.subf %reduce_sum3A_62, %sub3A_89 : f32
      %div3A_91 = vector.broadcast %sub3A_90 : f32 to vector<1x256xf32>
      %div3A_92 = arith.divf %sub3A, %div3A_91 : vector<1x256xf32>
      %mul3A_93 = vector.broadcast %reduce_sum3A_70 : f32 to vector<1x256xf32>
      %mul3A_94 = arith.mulf %mul3A_93, %div3A_79 : vector<1x256xf32>
      %mul3A_95 = arith.mulf %mul3A_94, %div3A_79 : vector<1x256xf32>
      %sub3A_96 = arith.subf %get3A_85, %mul3A_95 : vector<1x256xf32>
      %sub3A_97 = arith.constant 1.000000e+00 : f32
      %sub3A_98 = arith.subf %reduce_sum3A_70, %sub3A_97 : f32
      %div3A_99 = vector.broadcast %sub3A_98 : f32 to vector<1x256xf32>
      %div3A_100 = arith.divf %sub3A_96, %div3A_99 : vector<1x256xf32>
      %sqrt3A = math.sqrt %div3A_92 : vector<1x256xf32>
      %sqrt3A_101 = math.sqrt %div3A_100 : vector<1x256xf32>
      %concatenate3A_102 = tpu.concatenate %div3A_74, %div3A_79, %sqrt3A, %sqrt3A_101 in 0 : vector<1x256xf32>, vector<1x256xf32>, vector<1x256xf32>, vector<1x256xf32> -> vector<4x256xf32>
      %swap3A_103 = arith.constant 0 : index
      %swap3A_104 = arith.constant 0 : index
      %swap3A_105 = vector.load %arg4[%swap3A_103, %swap3A_104] : memref<4x256xf32, #tpu.memory_space<vmem>>, vector<4x256xf32>
      tpu.vector_store %arg4[%swap3A_103, %swap3A_104], %concatenate3A_102 {strides = array<i32>} : memref<4x256xf32, #tpu.memory_space<vmem>>, vector<4x256xf32>,
    } else {
    }
    return
  }
  func.func @transform_0(%arg0: i32) -> (i32, i32) {
    %c0_i32 = arith.constant 0 : i32
    %c0_i32_0 = arith.constant 0 : i32
    return %arg0, %c0_i32 : i32, i32
  }
  func.func @transform_1(%arg0: i32) -> (i32, i32, i32) {
    %c0_i32 = arith.constant 0 : i32
    %c0_i32_0 = arith.constant 0 : i32
    %c0_i32_1 = arith.constant 0 : i32
    return %arg0, %c0_i32, %c0_i32_0 : i32, i32, i32
  }
  func.func @transform_2(%arg0: i32) -> (i32, i32) {
    %c0_i32 = arith.constant 0 : i32
    %c0_i32_0 = arith.constant 0 : i32
    %c0_i32_1 = arith.constant 0 : i32
    return %c0_i32, %c0_i32_0 : i32, i32
  }
  func.func @transform_3(%arg0: i32) -> (i32, i32) {
    %c0_i32 = arith.constant 0 : i32
    %c0_i32_0 = arith.constant 0 : i32
    %c0_i32_1 = arith.constant 0 : i32
    return %c0_i32, %c0_i32_0 : i32, i32
  }
}

module attributes {stable_mosaic.version = 14 : i64} {
  func.func @_stats_body(%arg0: i32, %arg1: memref<8192x256xf32, #tpu.memory_space<vmem>>, %arg2: memref<256x256xf32, #tpu.memory_space<vmem>>, %arg3: memref<2x256xf32, #tpu.memory_space<vmem>>, %arg4: memref<2x256xf32, #tpu.memory_space<vmem>>, %arg5: memref<8192x256xbf16, #tpu.memory_space<vmem>>, %arg6: memref<1x256xf32, #tpu.memory_space<vmem>>, %arg7: memref<1x256xf32, #tpu.memory_space<vmem>>) attributes {dimension_semantics = [#tpu.dimension_semantics<arbitrary>], iteration_bounds = array<i64: 8>, scalar_prefetch = 0 : i64, scratch_operands = 2 : i64, tpu.core_type = #tpu.core_type<tc>, window_params = [{transform_indices = @transform_0, window_bounds = array<i64: 8192, 256>}, {pipeline_mode = #tpu.pipeline_mode<synchronous>, transform_indices = @transform_1, window_bounds = array<i64: 256, 256>}, {pipeline_mode = #tpu.pipeline_mode<synchronous>, transform_indices = @transform_2, window_bounds = array<i64: 2, 256>}, {pipeline_mode = #tpu.pipeline_mode<synchronous>, transform_indices = @transform_3, window_bounds = array<i64: 2, 256>}, {transform_indices = @transform_4, window_bounds = array<i64: 8192, 256>}]} {
    %eq3A = arith.constant 0 : i32
    %eq3A_0 = arith.cmpi eq, %arg0, %eq3A : i32
    %convert_element_type3A = arith.extui %eq3A_0 : i1 to i32
    %cond3A = arith.constant 0 : i32
    %cond3A_1 = arith.cmpi ne, %convert_element_type3A, %cond3A : i32
    scf.if %cond3A_1 {
      %broadcast_in_dim3A_36 = arith.constant 0.000000e+00 : f32
      %broadcast_in_dim3A_37 = vector.broadcast %broadcast_in_dim3A_36 : f32 to vector<1x256xf32>
      %swap3A_38 = arith.constant 0 : index
      %swap3A_39 = arith.constant 0 : index
      %swap3A_40 = vector.load %arg6[%swap3A_38, %swap3A_39] : memref<1x256xf32, #tpu.memory_space<vmem>>, vector<1x256xf32>
      tpu.vector_store %arg6[%swap3A_38, %swap3A_39], %broadcast_in_dim3A_37 {strides = array<i32>} : memref<1x256xf32, #tpu.memory_space<vmem>>, vector<1x256xf32>,
      %broadcast_in_dim3A_41 = arith.constant 0.000000e+00 : f32
      %broadcast_in_dim3A_42 = vector.broadcast %broadcast_in_dim3A_41 : f32 to vector<1x256xf32>
      %swap3A_43 = arith.constant 0 : index
      %swap3A_44 = arith.constant 0 : index
      %swap3A_45 = vector.load %arg7[%swap3A_43, %swap3A_44] : memref<1x256xf32, #tpu.memory_space<vmem>>, vector<1x256xf32>
      tpu.vector_store %arg7[%swap3A_43, %swap3A_44], %broadcast_in_dim3A_42 {strides = array<i32>} : memref<1x256xf32, #tpu.memory_space<vmem>>, vector<1x256xf32>,
    } else {
    }
    %get3A = arith.constant 0 : index
    %get3A_2 = arith.constant 0 : index
    %get3A_3 = vector.load %arg1[%get3A, %get3A_2] : memref<8192x256xf32, #tpu.memory_space<vmem>>, vector<8192x256xf32>
    %convert_element_type3A_4 = arith.truncf %get3A_3 : vector<8192x256xf32> to vector<8192x256xbf16>
    %get3A_5 = arith.constant 0 : index
    %get3A_6 = arith.constant 0 : index
    %get3A_7 = vector.load %arg2[%get3A_5, %get3A_6] : memref<256x256xf32, #tpu.memory_space<vmem>>, vector<256x256xf32>
    %convert_element_type3A_8 = arith.truncf %get3A_7 : vector<256x256xf32> to vector<256x256xbf16>
    %dot_general3A = arith.constant dense<0.000000e+00> : vector<8192x256xf32>
    %dot_general3A_9 = tpu.matmul %convert_element_type3A_4, %convert_element_type3A_8, %dot_general3A {dimension_numbers = #tpu.dot_dimension_numbers<[1], [1], [0], [0], [0, 0, 1, 0], [], []>, transpose_lhs_hint = false} : vector<8192x256xbf16>, vector<256x256xbf16>, vector<8192x256xf32> -> vector<8192x256xf32>
    %convert_element_type3A_10 = arith.truncf %dot_general3A_9 : vector<8192x256xf32> to vector<8192x256xbf16>
    %swap3A = arith.constant 0 : index
    %swap3A_11 = arith.constant 0 : index
    %swap3A_12 = vector.load %arg5[%swap3A, %swap3A_11] : memref<8192x256xbf16, #tpu.memory_space<vmem>>, vector<8192x256xbf16>
    tpu.vector_store %arg5[%swap3A, %swap3A_11], %convert_element_type3A_10 {strides = array<i32>} : memref<8192x256xbf16, #tpu.memory_space<vmem>>, vector<8192x256xbf16>,
    %broadcast_in_dim3A = arith.constant 1.000000e+00 : bf16
    %broadcast_in_dim3A_13 = vector.broadcast %broadcast_in_dim3A : bf16 to vector<1x8192xbf16>
    %get3A_14 = arith.constant 0 : index
    %get3A_15 = arith.constant 0 : index
    %get3A_16 = vector.load %arg6[%get3A_14, %get3A_15] : memref<1x256xf32, #tpu.memory_space<vmem>>, vector<1x256xf32>
    %dot_general3A_17 = arith.constant dense<0.000000e+00> : vector<1x256xf32>
    %dot_general3A_18 = tpu.matmul %broadcast_in_dim3A_13, %convert_element_type3A_10, %dot_general3A_17 {dimension_numbers = #tpu.dot_dimension_numbers<[1], [0], [0], [1], [0, 0, 1, 1], [], []>, transpose_lhs_hint = false} : vector<1x8192xbf16>, vector<8192x256xbf16>, vector<1x256xf32> -> vector<1x256xf32>
    %add3A = arith.addf %get3A_16, %dot_general3A_18 : vector<1x256xf32>
    %swap3A_19 = arith.constant 0 : index
    %swap3A_20 = arith.constant 0 : index
    %swap3A_21 = vector.load %arg6[%swap3A_19, %swap3A_20] : memref<1x256xf32, #tpu.memory_space<vmem>>, vector<1x256xf32>
    tpu.vector_store %arg6[%swap3A_19, %swap3A_20], %add3A {strides = array<i32>} : memref<1x256xf32, #tpu.memory_space<vmem>>, vector<1x256xf32>,
    %get3A_22 = arith.constant 0 : index
    %get3A_23 = arith.constant 0 : index
    %get3A_24 = vector.load %arg7[%get3A_22, %get3A_23] : memref<1x256xf32, #tpu.memory_space<vmem>>, vector<1x256xf32>
    %mul3A = arith.mulf %convert_element_type3A_10, %convert_element_type3A_10 : vector<8192x256xbf16>
    %dot_general3A_25 = arith.constant dense<0.000000e+00> : vector<1x256xf32>
    %dot_general3A_26 = tpu.matmul %broadcast_in_dim3A_13, %mul3A, %dot_general3A_25 {dimension_numbers = #tpu.dot_dimension_numbers<[1], [0], [0], [1], [0, 0, 1, 1], [], []>, transpose_lhs_hint = false} : vector<1x8192xbf16>, vector<8192x256xbf16>, vector<1x256xf32> -> vector<1x256xf32>
    %add3A_27 = arith.addf %get3A_24, %dot_general3A_26 : vector<1x256xf32>
    %swap3A_28 = arith.constant 0 : index
    %swap3A_29 = arith.constant 0 : index
    %swap3A_30 = vector.load %arg7[%swap3A_28, %swap3A_29] : memref<1x256xf32, #tpu.memory_space<vmem>>, vector<1x256xf32>
    tpu.vector_store %arg7[%swap3A_28, %swap3A_29], %add3A_27 {strides = array<i32>} : memref<1x256xf32, #tpu.memory_space<vmem>>, vector<1x256xf32>,
    %eq3A_31 = arith.constant 7 : i32
    %eq3A_32 = arith.cmpi eq, %arg0, %eq3A_31 : i32
    %convert_element_type3A_33 = arith.extui %eq3A_32 : i1 to i32
    %cond3A_34 = arith.constant 0 : i32
    %cond3A_35 = arith.cmpi ne, %convert_element_type3A_33, %cond3A_34 : i32
    scf.if %cond3A_35 {
      %get3A_36 = arith.constant 0 : index
      %get3A_37 = arith.constant 0 : index
      %get3A_38 = vector.load %arg6[%get3A_36, %get3A_37] : memref<1x256xf32, #tpu.memory_space<vmem>>, vector<1x256xf32>
      %mul3A_39 = arith.constant 1.52587891E-5 : f32
      %mul3A_40 = vector.broadcast %mul3A_39 : f32 to vector<1x256xf32>
      %mul3A_41 = arith.mulf %get3A_38, %mul3A_40 : vector<1x256xf32>
      %get3A_42 = arith.constant 0 : index
      %get3A_43 = arith.constant 0 : index
      %get3A_44 = vector.load %arg7[%get3A_42, %get3A_43] : memref<1x256xf32, #tpu.memory_space<vmem>>, vector<1x256xf32>
      %mul3A_45 = arith.constant 1.52587891E-5 : f32
      %mul3A_46 = vector.broadcast %mul3A_45 : f32 to vector<1x256xf32>
      %mul3A_47 = arith.mulf %get3A_44, %mul3A_46 : vector<1x256xf32>
      %mul3A_48 = arith.mulf %mul3A_41, %mul3A_41 : vector<1x256xf32>
      %sub3A = arith.subf %mul3A_47, %mul3A_48 : vector<1x256xf32>
      %get3A_49 = arith.constant 0 : index
      %get3A_50 = arith.constant 0 : index
      %get3A_51 = vector.load %arg3[%get3A_49, %get3A_50] : memref<2x256xf32, #tpu.memory_space<vmem>>, vector<1x256xf32>
      %add3A_52 = arith.constant 9.99999974E-6 : f32
      %add3A_53 = vector.broadcast %add3A_52 : f32 to vector<1x256xf32>
      %add3A_54 = arith.addf %sub3A, %add3A_53 : vector<1x256xf32>
      %rsqrt3A = math.rsqrt %add3A_54 : vector<1x256xf32>
      %mul3A_55 = arith.mulf %get3A_51, %rsqrt3A : vector<1x256xf32>
      %get3A_56 = arith.constant 1 : index
      %get3A_57 = arith.constant 0 : index
      %get3A_58 = vector.load %arg3[%get3A_56, %get3A_57] : memref<2x256xf32, #tpu.memory_space<vmem>>, vector<1x256xf32>
      %mul3A_59 = arith.mulf %mul3A_55, %mul3A_41 : vector<1x256xf32>
      %sub3A_60 = arith.subf %get3A_58, %mul3A_59 : vector<1x256xf32>
      %concatenate3A = tpu.concatenate %mul3A_55, %sub3A_60 in 0 : vector<1x256xf32>, vector<1x256xf32> -> vector<2x256xf32>
      %swap3A_61 = arith.constant 0 : index
      %swap3A_62 = arith.constant 0 : index
      %swap3A_63 = vector.load %arg4[%swap3A_61, %swap3A_62] : memref<2x256xf32, #tpu.memory_space<vmem>>, vector<2x256xf32>
      tpu.vector_store %arg4[%swap3A_61, %swap3A_62], %concatenate3A {strides = array<i32>} : memref<2x256xf32, #tpu.memory_space<vmem>>, vector<2x256xf32>,
    } else {
    }
    return
  }
  func.func @transform_0(%arg0: i32) -> (i32, i32) {
    %c0_i32 = arith.constant 0 : i32
    %c0_i32_0 = arith.constant 0 : i32
    return %arg0, %c0_i32 : i32, i32
  }
  func.func @transform_1(%arg0: i32) -> (i32, i32) {
    %c0_i32 = arith.constant 0 : i32
    %c0_i32_0 = arith.constant 0 : i32
    %c0_i32_1 = arith.constant 0 : i32
    return %c0_i32, %c0_i32_0 : i32, i32
  }
  func.func @transform_2(%arg0: i32) -> (i32, i32) {
    %c0_i32 = arith.constant 0 : i32
    %c0_i32_0 = arith.constant 0 : i32
    %c0_i32_1 = arith.constant 0 : i32
    return %c0_i32, %c0_i32_0 : i32, i32
  }
  func.func @transform_3(%arg0: i32) -> (i32, i32) {
    %c0_i32 = arith.constant 0 : i32
    %c0_i32_0 = arith.constant 0 : i32
    %c0_i32_1 = arith.constant 0 : i32
    return %c0_i32, %c0_i32_0 : i32, i32
  }
  func.func @transform_4(%arg0: i32) -> (i32, i32) {
    %c0_i32 = arith.constant 0 : i32
    %c0_i32_0 = arith.constant 0 : i32
    return %arg0, %c0_i32 : i32, i32
  }
}

</mosaic_0001>

<sc_bundles>
// kernel: kernel.5.cloned.1.call-start
scs
__scs_entry_jumppad:
0x0: {  	(pc) =	sbr.rel $0x88, $3  }
0x1: {  	(tag) =	ssettag $0x0;
	lr =	simm.s32 $0x1  }
0x2: {  	[smem:$0x3F9C] =	sst lr;
	_ =	strace $0xD0000000  }
0x3: {  	_ = 	snop  }
0x4: {  	_ = 	snop  }
0x5: {  	_ = 	snop  }
0x6: {  	_ = 	snop  }
0x7: {  	_ = 	snop  }
__scs_overlays_trampoline_lowered:
0x8: {  	[smem:$0x3FAB] =	sst s0  }
0x9: {  	[smem:$0x3FAC] =	sst s1  }
0xa: {  	[smem:$0x3FAD] =	sst s2  }
0xb: {  	[smem:$0x3FAE] =	sst s3  }
0xc: {  	[smem:$0x3FAF] =	sst s4  }
0xd: {  	[smem:$0x3FB0] =	sst s5  }
0xe: {  	[smem:$0x3FB1] =	sst s6  }
0xf: {  	[smem:$0x3FB2] =	sst s7  }
0x10: {  	[smem:$0x3FB3] =	sst s8  }
0x11: {  	[smem:$0x3FB4] =	sst s9;
	s0 =	simm.s32 @!p0 $0x0  }
0x12: {  	s1 =	sld [smem:$0x3F9A];
	s0 =	simm.s32 @p0 $0x1  }
0x13: {  	[smem:$0x3FB5] =	sst s0;
	s0 =	simm.s32 @!p1 $0x0  }
0x14: {  	s2 =	sld [smem:$0x3F99];
	s0 =	simm.s32 @p1 $0x1  }
0x15: {  	[smem:$0x3FB6] =	sst s0;
	s0 =	simm.s32 @!p2 $0x0  }
0x16: {  	s3 =	sld [smem:$0x3FDB];
	s0 =	simm.s32 @p2 $0x1  }
0x17: {  	s4 =	simm.s32 $0x1BF5;
	[smem:$0x3FB8] =	sst s0  }
0x18: {  	s0 =	sld [smem:$0x3F9B];
	_ =	swait.ge [sflag:s4], $0x0  }
0x19: {  	s7 =	sld [smem:$0x3F9C]  }
0x1a: {  	s8 =	sadd.s32 $0xFFFFE003, lr  }
0x1b: {  	s9 =	sadd.s32 $0xFFFFFEF7, lr;
	s5 =	simm.s32 $0xFFFFFFFF;
	p2 =	slt.u32 s8, $0xFFFFF086  }
0x1c: {  	p1 =	slt.u32 s9, $0xF7A;
	s5 =	simm.s32 @!p2 $0x0  }
0x1d: {  	s5 =	simm.s32 @p1 $0x1;
	p0 =	seq.s32 s7, s2  }
0x1e: {  	s7 =	smul.u32 @!p0 $0xF7A, s2;
	p2 =	seq.s32 @!p0 s5, $0x0  }
0x1f: {  	s9 =	smul.u32 $0xF7A, s1;
	s8 =	simm.s32 @!p0 $0x1BF5;
	p2 =	por !p2, p0  }
0x20: {  	[sflag:s8] =	ssyncset.s32 @!p0 $0xFFFFF086;
	s6 =	sadd.s32 @!p0 s3, s7;
	s7 =	simm.s32 @!p0 $0x108  }
0x21: {  	s3 =	sadd.s32 s3, s9;
	s6 =	sadd.s32 @!p0 $0x88, s6;
	s7 =	simm.s32 @p2 $0x1082  }
0x22: {  	[simem:s7], [sflag:s8] =	dma.local @!p0 [hbm:s6], $0xF7A  }
0x23: {  	s9 =	sor.u32 $0xD0000000, s2;
	s6 =	simm.s32 $0x108;
	_ =	swait.ge @!p0 [sflag:s8], $0x0  }
0x24: {  	s3 =	sadd.s32 $0x88, s3;
	s6 =	simm.s32 @!p1 $0x1082;
	[sflag:s4] =	ssyncset.s32 $0xFFFFF086  }
0x25: {  	[simem:s6], [sflag:s4] =	dma.local [hbm:s3], $0xF7A  }
0x26: {  	[smem:$0x3F9C] =	sst s1;
	(tag) =	ssettag s2;
	_ =	strace s9  }
0x27: {  	s1 =	sld [smem:$0x3FAC]  }
0x28: {  	s2 =	sld [smem:$0x3FAD]  }
0x29: {  	s4 =	sld [smem:$0x3FAF]  }
0x2a: {  	p0 =	seq.s32 s5, $0x0;
	s5 =	sld [smem:$0x3FB0]  }
0x2b: {  	s6 =	sld [smem:$0x3FB1]  }
0x2c: {  	s7 =	sld [smem:$0x3FB2]  }
0x2d: {  	s3 =	simm.s32 $0x108;
	s8 =	sld [smem:$0x3FB3]  }
0x2e: {  	s3 =	simm.s32 @!p0 $0x1082;
	s9 =	sld [smem:$0x3FB4]  }
0x2f: {  	lr =	sadd.s32 s0, s3;
	s0 =	sld [smem:$0x3FAB]  }
0x30: {  	s3 =	sld [smem:$0x3FAE]  }
0x31: {  	[smem:$0x3FB7] =	sst s10  }
0x32: {  	s10 =	sld [smem:$0x3FB5];
	_ =	sdelay $0x3  }
0x33: {  	p0 =	seq.s32 s10, $0x1;
	s10 =	sld [smem:$0x3FB7];
	_ =	sdelay $0x3  }
0x34: {  	[smem:$0x3FB7] =	sst s10  }
0x35: {  	s10 =	sld [smem:$0x3FB6];
	_ =	sdelay $0x3  }
0x36: {  	p1 =	seq.s32 s10, $0x1;
	s10 =	sld [smem:$0x3FB7];
	_ =	sdelay $0x3  }
0x37: {  	[smem:$0x3FB7] =	sst s10  }
0x38: {  	s10 =	sld [smem:$0x3FB8]  }
0x39: {  	_ = 	snop;
	(pc) =	sbr.ind lr, $3  }
0x3a: {  	_ = 	snop  }
0x3b: {  	_ = 	snop  }
0x3c: {  	p2 =	seq.s32 s10, $0x1;
	s10 =	sld [smem:$0x3FB7]  }
0x3d: {  	_ =	shalt  }
0x3e: {  	_ =	shalt  }
0x3f: {  	_ =	shalt  }
0x40: {  	_ =	shalt  }
0x41: {  	_ =	shalt  }
0x42: {  	_ =	shalt  }
0x43: {  	_ =	shalt  }
0x44: {  	_ =	shalt  }
0x45: {  	_ =	shalt  }
0x46: {  	_ =	shalt  }
0x47: {  	_ =	shalt  }
0x48: {  	_ =	shalt  }
0x49: {  	_ =	shalt  }
0x4a: {  	_ =	shalt  }
0x4b: {  	_ =	shalt  }
0x4c: {  	_ =	shalt  }
0x4d: {  	_ =	shalt  }
0x4e: {  	_ =	shalt  }
0x4f: {  	_ =	shalt  }
0x50: {  	_ =	shalt  }
0x51: {  	_ =	shalt  }
0x52: {  	_ =	shalt  }
0x53: {  	_ =	shalt  }
0x54: {  	_ =	shalt  }
0x55: {  	_ =	shalt  }
0x56: {  	_ =	shalt  }
0x57: {  	_ =	shalt  }
0x58: {  	_ =	shalt  }
0x59: {  	_ =	shalt  }
0x5a: {  	_ =	shalt  }
0x5b: {  	_ =	shalt  }
0x5c: {  	_ =	shalt  }
0x5d: {  	_ =	shalt  }
0x5e: {  	_ =	shalt  }
0x5f: {  	_ =	shalt  }
0x60: {  	_ =	shalt  }
0x61: {  	_ =	shalt  }
0x62: {  	_ =	shalt  }
0x63: {  	_ =	shalt  }
0x64: {  	_ =	shalt  }
0x65: {  	_ =	shalt  }
0x66: {  	_ =	shalt  }
0x67: {  	_ =	shalt  }
0x68: {  	_ =	shalt  }
0x69: {  	_ =	shalt  }
0x6a: {  	_ =	shalt  }
0x6b: {  	_ =	shalt  }
0x6c: {  	_ =	shalt  }
0x6d: {  	_ =	shalt  }
0x6e: {  	_ =	shalt  }
0x6f: {  	_ =	shalt  }
0x70: {  	_ =	shalt  }
0x71: {  	_ =	shalt  }
0x72: {  	_ =	shalt  }
0x73: {  	_ =	shalt  }
0x74: {  	_ =	shalt  }
0x75: {  	_ =	shalt  }
0x76: {  	_ =	shalt  }
0x77: {  	_ =	shalt  }
0x78: {  	_ =	shalt  }
0x79: {  	_ =	shalt  }
0x7a: {  	_ =	shalt  }
0x7b: {  	_ =	shalt  }
0x7c: {  	_ =	shalt  }
0x7d: {  	_ =	shalt  }
0x7e: {  	_ =	shalt  }
0x7f: {  	_ =	shalt  }
0x80: {  	_ =	shalt  }
0x81: {  	_ =	shalt  }
0x82: {  	_ =	shalt  }
0x83: {  	_ =	shalt  }
0x84: {  	_ =	shalt  }
0x85: {  	_ =	shalt  }
0x86: {  	_ =	shalt  }
0x87: {  	_ =	shalt  }
.Lfunc_end0:
.L_simem_size_0:
called_computation_lowered:
.L_overlay_start_0:
0x88: {  	s2 =	sld [smem:$0x3FD9]  }
0x89: {  	s3 =	sld [smem:$0x3FFE];
	_ =	sdelay $0x1  }
0x8a: {  	s1 =	srdreg.scid  }
0x8b: {  	s0 =	sand.u32 $0x1, s1  }
0x8c: {  	s17 =	sshll.u32 s0, $0xA;
	s2 =	sadd.s32 s3, s2  }
0x8d: {  	s2 =	sadd.s32 s2, s17  }
0x8e: {  	[smem:$0x3FC3] =	sst s2  }
0x8f: {  	_ = 	snop  }
0x90: {  	s2 =	sld [smem:$0x3FC8];
	(tm) =	ssettm $0x1  }
0x91: {  	s18 =	sld [smem:$0x3FFB];
	_ =	sdelay $0x3  }
0x92: {  	_ =	strace s18  }
0x93: {  	s3 =	sld [smem:$0x3FFC];
	_ =	sdelay $0x3  }
0x94: {  	_ =	strace s3  }
0x95: {  	s3 =	sld [smem:$0x3FFD];
	_ =	sdelay $0x3  }
0x96: {  	_ =	strace s3  }
0x97: {  	_ =	strace $0x8FFFFFFF  }
0x98: {  	s19 =	sld [smem:$0x3FDB];
	_ =	sdelay $0x1  }
0x99: {  	s4 =	simm.s32 $_scs_section_size  }
0x9a: {  	s5 =	simm.s32 $_size__tile_overlayer_lowered;
	s6 =	simm.s32 $_tile_overlayer_lowered  }
0x9b: {  	s22 =	simm.s32 $0x1BFF;
	s21 =	sshll.u32 s6, $0x1;
	s3 =	sadd.s32 s4, s19  }
0x9c: {  	s7 =	simm.s32 $0x0;
	s20 =	sshll.u32 s5, $0x1;
	s5 =	sadd.s32 s21, s3  }
0x9d: {  	[timem:s7], [sflag:s22] =	dma.local [hbm:s5], s20  }
0x9e: {  	_ =	swait.ge [sflag:s22], s20  }
0x9f: {  	s4 =	ssub.s32 $0x0, s20;
	[sflag:s22] =	ssyncset.done $0x0  }
0xa0: {  	[sflag:s22] =	ssyncadd.s32 s4;
	_ =	sdelay $0x1  }
0xa1: {  	s23 =	simm.s32 $0x1B8B  }
0xa2: {  	_ =	swait.ge [sflag:s23], $0x1  }
0xa3: {  	[sflag:s23] =	ssyncset.done $0x0  }
0xa4: {  	s25 =	simm.s32 $0x1B8E;
	s24 =	sld [smem:$0x3FFE];
	[sflag:s23] =	ssyncadd.s32 $0xFFFFFFFF  }
0xa5: {  	s26 =	simm.s32 $execute0_lowered;
	[smem:$0x3FD2] =	sst s25  }
0xa6: {  	s5 =	sshll.u32 s26, $0x1;
	_ =	strace $0x80000046;
	[dreg:$0x1] =	wrdreg $0xFFFFFFFF  }
0xa7: {  	s28 =	simm.s32 $_size_execute0_lowered;
	s3 =	sadd.s32 s3, s5;
	[dreg:$0x0] =	wrdreg $0x0  }
0xa8: {  	s5 =	sshll.u32 s28, $0x1;
	[dreg:$0x2] =	wrdreg s3  }
0xa9: {  	[dreg:$0x3] =	wrdreg s5  }
0xaa: {  	[dreg:$0x4] =	wrdreg $0xC0  }
0xab: {  	_ =	task [dreg:s7], $0x5FFFF  }
0xac: {  	[dreg:$0x1] =	wrdreg $0xFFFFFFFF  }
0xad: {  	[dreg:$0x0] =	wrdreg $0x60  }
0xae: {  	[dreg:$0x2] =	wrdreg s2  }
0xaf: {  	[dreg:$0x3] =	wrdreg s24  }
0xb0: {  	[dreg:$0x4] =	wrdreg $0x9  }
0xb1: {  	_ =	task.clear_ibuf [dreg:s7], $0x5FFFF;
	_ =	strace $0x90000046  }
0xb2: {  	s29 =	simm.s32 $0x9;
	_ =	strace $0x80000048  }
0xb3: {  	_ =	swait.ge [sflag:s29], $0x1  }
0xb4: {  	[sflag:s29] =	ssyncadd.s32 $0xFFFFFFFF  }
0xb5: {  	_ =	strace $0x90000048  }
0xb6: {  	_ =	sfence  }
0xb7: {  	s30 =	sld [smem:$0x0];
	_ =	sdelay $0x2  }
0xb8: {  	s31 =	sshll.u32 s1, $0xD;
	s1 =	sshrl.u32 s1, $0x2  }
0xb9: {  	s3 =	sand.u32 $0x4000, s31;
	s1 =	sadd.s32 s1, s30  }
0xba: {  	s0 =	sor.u32 s3, s0;
	s1 =	sshll.u32 s1, $0x11  }
0xbb: {  	s0 =	sor.u32 s1, s0  }
0xbc: {  	s0 =	sadd.s32 $0x8F2B, s0  }
0xbd: {  	[sflag:s0] =	ssyncadd.remote.s32 $0x1  }
0xbe: {  	_ =	sfence.sel $0xFFFF  }
0xbf: {  	[dreg:$0x0] =	wrdreg $0xFFFFFFFF;
	(pc) =	sbr.abs _section_cstart, $3  }
0xc0: {  	[dreg:$0x1] =	wrdreg $0xFFFFFFFF  }
0xc1: {  	_ =	task.clear_ibuf [dreg:s7], $0x2FFFF;
	_ =	strace $0x9FFFFFFF  }
0xc2: {  	(tm) =	ssettm $0x7FFFFFFF  }
0xc3: {  	_ =	shalt  }
tec
execute0_lowered:
.L_overlay_start_1:
0x0: {  	(tag) =	ssettag $0x1  }
0x1: {  	s0 =	stileid.u32  }
0x2: {  	s1 =	srdreg.scid;
	s5 =	rddreg [dreg:$0x0]  }
0x3: {  	s6 =	rddreg [dreg:$0x1];
	s3 =	sand.u32 $0x1, s1;
	s25 =	sshll.u32 s0, $0x1  }
0x4: {  	s7 =	simm.s32 $0x1;
	s2 =	simm.s32 $0x0;
	s4 =	sor.u32 s3, s25  }
0x5: {  	s1 =	rddreg [dreg:$0x2];
	p1 =	seq.s32 s3, $0x1;
	p0 =	seq.s32 s4, $0x0  }
0x6: {  	s10 =	simm.s32 $0x0;
	[smem:$0x7FF] =	sst s2;
	p0 =	por !p0, !p1  }
0x7: {  	s8 =	sshll.u32 s0, $0xA;
	_ =	strace $0x80000047;
	p0 =	por !p0, !p0  }
0x8: {  	s8 =	sand.u32 $0x3800, s8;
	s26 =	ssub.s32 $0x2, s3;
	s7 =	simm.s32 @!p0 $0x0  }
0x9: {  	s3 =	sshll.u32 s3, $0xC;
	s6 =	sadd.s32 s8, s6;
	s7 =	ssub.s32 s0, s7  }
0xa: {  	s9 =	sshrl.u32 s26, $0x1;
	s4 =	sshll.u32 s4, $0x9;
	s7 =	smul.u32 $0xA000, s7  }
0xb: {  	s8 =	simm.s32 $0x2000;
	s28 =	ssub.s32 s26, s9;
	s30 =	sand.u32 $0x600, s4  }
0xc: {  	s9 =	simm.s32 $0x5000;
	s31 =	sadd.s32 s30, s6;
	s3 =	sor.u32 s3, s7  }
0xd: {  	s6 =	smax.u32 s28, $0x1;
	s7 =	simm.s32 $0x1000;
	s29 =	sshrl.u32 s3, $0x3  }
0xe: {  	v0 =	vimm.s32 $0x0;
	s3 =	simm.s32 $0x1;
	s4 =	sadd.s32 s5, s29;
	s5 =	sadd.s32 $0xA00, s31  }
.LBB2_1:
0xf: {  	[tilespmem:s2], [sflag:$0x1] =	stream.strided.gather [hbm4b:s4+s7], $0x5000, s8, s7, $0x38;
	[tilespmem:$0x6000] =	vst v63  }
0x10: {  	_ =	swait.ge [sflag:s3], $0x5000  }
0x11: {  	s11 =	sand.u32 $0x30, s2;
	s12 =	sand.u32 $0xF80, s2;
	[sflag:s3] =	ssyncset.done $0x0  }
0x12: {  	s11 =	sor.u32 s11, s12;
	[sflag:s3] =	ssyncadd.s32 $0xFFFFB000  }
0x13: {  	v2 =	vld [tilespmem:s11+$0x2000]  }
0x14: {  	v3 =	vld [tilespmem:s11+$0x3000]  }
0x15: {  	v4 =	vld [tilespmem:s11+$0x1000]  }
0x16: {  	v5 =	vld [tilespmem:s11+$0x0]  }
0x17: {  	v1 =	vld [tilespmem:s11+$0x4000];
	_ =	sdelay $0x2  }
0x18: {  	v6 =	vadd.s32 $0xFFFFFFFF, v2;
	vm0 =	vlt.u32 v2, $0x80000001  }
0x19: {  	v7 =	vadd.s32 $0xFFFFFFFF, v3;
	vm1 =	vlt.u32 v3, $0x80000001;
	v3 =	vadd.s32 $0xFFFFFFFF, v4  }
0x1a: {  	v8 =	vadd.s32 $0xFFFFFFFF, v5;
	v61 =	vadd.s32 $0xFFFFFFFF, v1;
	v2 =	vsub.s32 $0x0, v6  }
0x1b: {  	v59 =	vsub.s32 $0x0, v7;
	v9 =	vsub.s32 $0x0, v3;
	v10 =	vsub.s32 $0x0, v8  }
0x1c: {  	v62 =	vsub.s32 $0x0, v61;
	v2 =	vmin.u32 v6, v2;
	v3 =	vmin.u32 v3, v9  }
0x1d: {  	v6 =	vmin.u32 v7, v59;
	v60 =	vmin.u32 v8, v10;
	vm3 =	vlt.s32 v3, $0x1  }
0x1e: {  	vm2 =	vlt.s32 v2, $0x1;
	vm4 =	vlt.s32 v60, $0x1;
	v3 =	vnsel vm3, $0x1, v3  }
0x1f: {  	v7 =	vnsel vm4, $0x1, v60;
	v63 =	vnsel vm2, $0x1, v2;
	v2 =	vmin.u32 v61, v62  }
0x20: {  	vm2 =	vlt.s32 v6, $0x1;
	vm3 =	vlt.s32 v2, $0x1;
	v3 =	vadd.s32 v3, v7  }
0x21: {  	s13 =	simm.s32 $0x20;
	v6 =	vnsel vm2, $0x1, v6;
	vm2 =	vlt.u32 v5, $0x80000001;
	v3 =	vadd.s32 v63, v3  }
0x22: {  	s14 =	simm.s32 $0x0;
	s12 =	simm.s32 $0x0;
	s11 =	sand.u32 $0x70, s2;
	v2 =	vnsel vm3, $0x1, v2;
	vm3 =	vlt.u32 v4, $0x80000001;
	v3 =	vadd.s32 v6, v3  }
.LBB2_2:
0x23: {  	p0 =	sne.s32 s13, $0xFE0  }
0x24: {  	v4 =	vsel vm2, $0x1, v0;
	v5 =	vsel vm3, $0x1, v0;
	vm2 =	vlt.u32 v1, $0x80000001;
	s14 =	sadd.s32 $0x10, s14;
	s15 =	smov.u32 s13;
	s13 =	sadd.s32 $0x20, s13  }
0x25: {  	v2 =	vadd.s32 v2, v3;
	s16 =	sand.u32 $0x70, s14;
	v1 =	vadd.s32 v4, v5;
	v4 =	vsel vm0, $0x1, v0  }
0x26: {  	v3 =	vsel vm1, $0x1, v0;
	v2 =	vsub.s32 $0x5, v2;
	v1 =	vadd.s32 v4, v1  }
0x27: {  	s17 =	sand.u32 $0x30, s14;
	s18 =	sand.u32 $0xF80, s15;
	vm0 =	vlt.s32 v2, $0x1;
	v1 =	vadd.s32 v3, v1;
	v3 =	vsel vm2, $0x1, v0  }
0x28: {  	s17 =	sor.u32 s17, s18;
	v2 =	vnsel vm0, $0x1, v2;
	v1 =	vor.u32 v3, v1  }
0x29: {  	s18 =	sand.u32 $0xF00, s12;
	s12 =	smov.u32 s15;
	vm0 =	veq.s32 v1, $0x0;
	v1 =	vsub.s32 $0x1, v2;
	v2 =	vcvt.s32.f32 v2  }
0x2a: {  	s15 =	sor.u32 s11, s18;
	s11 =	smov.u32 s16;
	v1 =	vsel vm0, $0x0, v1  }
0x2b: {  	[tilespmem:s15+$0x5000] =	vst v2;
	v1 =	vcvt.s32.f32 v1;
	_ =	sdelay $0x1  }
0x2c: {  	[tilespmem:s15+$0x5080] =	vst v1  }
0x2d: {  	v2 =	vld [tilespmem:s17+$0x2000]  }
0x2e: {  	v3 =	vld [tilespmem:s17+$0x3000]  }
0x2f: {  	v4 =	vld [tilespmem:s17+$0x1000]  }
0x30: {  	v5 =	vld [tilespmem:s17+$0x0]  }
0x31: {  	v1 =	vld [tilespmem:s17+$0x4000]  }
0x32: {  	v6 =	vadd.s32 $0xFFFFFFFF, v2;
	vm0 =	vlt.u32 v2, $0x80000001  }
0x33: {  	v2 =	vsub.s32 $0x0, v6;
	v7 =	vadd.s32 $0xFFFFFFFF, v3;
	vm1 =	vlt.u32 v3, $0x80000001  }
0x34: {  	v3 =	vadd.s32 $0xFFFFFFFF, v4;
	v2 =	vmin.u32 v6, v2;
	v6 =	vsub.s32 $0x0, v7  }
0x35: {  	v8 =	vadd.s32 $0xFFFFFFFF, v5;
	v9 =	vsub.s32 $0x0, v3;
	vm2 =	vlt.s32 v2, $0x1  }
0x36: {  	v6 =	vmin.u32 v7, v6;
	v10 =	vsub.s32 $0x0, v8;
	v3 =	vmin.u32 v3, v9  }
0x37: {  	v7 =	vmin.u32 v8, v10;
	vm3 =	vlt.s32 v3, $0x1;
	v8 =	vadd.s32 $0xFFFFFFFF, v1  }
.Ltmp0:
0x38: {  	vm4 =	vlt.s32 v7, $0x1;
	v3 =	vnsel vm3, $0x1, v3;
	v9 =	vsub.s32 $0x0, v8;
	(pc) =	sbr.rel @p0 .LBB2_2-.Ltmp0, $4  }
0x39: {  	v10 =	vnsel vm2, $0x1, v2;
	v7 =	vnsel vm4, $0x1, v7;
	v2 =	vmin.u32 v8, v9  }
0x3a: {  	vm2 =	vlt.s32 v6, $0x1;
	vm3 =	vlt.s32 v2, $0x1;
	v3 =	vadd.s32 v3, v7  }
0x3b: {  	v6 =	vnsel vm2, $0x1, v6;
	v2 =	vnsel vm3, $0x1, v2;
	v3 =	vadd.s32 v10, v3  }
0x3c: {  	vm2 =	vlt.u32 v5, $0x80000001;
	vm3 =	vlt.u32 v4, $0x80000001;
	v3 =	vadd.s32 v6, v3  }
0x3d: {  	v4 =	vsel vm2, $0x1, v0;
	v5 =	vsel vm3, $0x1, v0;
	vm13 =	vlt.u32 v1, $0x80000001  }
0x3e: {  	v63 =	vsel vm0, $0x1, v0;
	v2 =	vadd.s32 v2, v3;
	v1 =	vadd.s32 v4, v5  }
0x3f: {  	v3 =	vsel vm1, $0x1, v0;
	v2 =	vsub.s32 $0x5, v2;
	v1 =	vadd.s32 v63, v1  }
0x40: {  	vm14 =	vlt.s32 v2, $0x1;
	v1 =	vadd.s32 v3, v1;
	v3 =	vsel vm13, $0x1, v0  }
0x41: {  	v2 =	vnsel vm14, $0x1, v2;
	v1 =	vor.u32 v3, v1  }
0x42: {  	vm15 =	veq.s32 v1, $0x0;
	v1 =	vsub.s32 $0x1, v2  }
0x43: {  	s12 =	sand.u32 $0xF00, s12;
	v2 =	vcvt.s32.f32 v2;
	v1 =	vsel vm15, $0x0, v1  }
0x44: {  	s10 =	sadd.s32 $0x1, s10;
	s11 =	sor.u32 s11, s12;
	v1 =	vcvt.s32.f32 v1  }
0x45: {  	p0 =	sne.s32 s10, s6;
	[tilespmem:s11+$0x5000] =	vst v2  }
.Ltmp1:
0x46: {  	[tilespmem:s11+$0x5080] =	vst v1;
	(pc) =	sbr.rel @p0 .LBB2_1-.Ltmp1, $4  }
0x47: {  	[hbm4b:s5+s2] =	stream.linear.scatter [tilespmem:s9], [sflag:$0x1], $0x1000, $0x38;
	[tilespmem:$0x6000] =	vst v63  }
0x48: {  	_ =	swait.ge [sflag:s3], $0x1000  }
0x49: {  	[sflag:s3] =	ssyncset.done $0x0  }
0x4a: {  	[sflag:s3] =	ssyncadd.s32 $0xFFFFF000  }
0x4b: {  	_ =	sfence.sel $0x180000  }
0x4c: {  	[bflag:$0x0] =	sbarrier.arrive $0xFFFF  }
0x4d: {  	p0 =	sne.s32 s0, $0x0;
	_ =	strace $0x90000047  }
0x4e: {  	s0 =	sadd.s32 @!p0 $0x100000, s1;
	[bflag:$0x2] =	sbarrier.arrive $0xFFFF  }
0x4f: {  	[sflag:s0] =	ssyncadd.tile.s32 @!p0 $0x1;
	_ =	shalt  }
.Lfunc_end2:
_tile_overlayer_lowered:
.L_overlay_start_2:
0x50: {  	(tag) =	ssettag $0x2  }
0x51: {  	s0 =	rddreg [dreg:$0x0];
	s2 =	stileid.u32  }
0x52: {  	s1 =	rddreg [dreg:$0x1];
	p0 =	sne.s32 s2, $0x0  }
0x53: {  	s3 =	rddreg [dreg:$0x2];
	[bflag:$0x3] =	sbarrier.arrive $0xFFFF;
	s2 =	simm.s32 @!p0 $0x1C01  }
0x54: {  	[timem:s3], [sflag:s2] =	dma.local @!p0 [hbm:s0], s1  }
0x55: {  	s0 =	simm.s32 @!p0 $0x1  }
0x56: {  	_ =	swait.ge @!p0 [sflag:s0], s1  }
0x57: {  	s1 =	ssub.s32 @!p0 $0x0, s1;
	[sflag:s0] =	ssyncset.done @!p0 $0x0  }
0x58: {  	[sflag:s0] =	ssyncadd.s32 @!p0 s1  }
0x59: {  	[bflag:$0x3] =	sbarrier.arrive $0xFFFF  }
0x5a: {  	_ =	shalt  }

</sc_bundles>
